<compile_context>
chip_gen: v7x
topology: tpu7x:2x2x1
jax: 0.10.2.dev20260603
libtpu: 0.0.44.dev20260713+nightly
codegen_flags: <defaults>
</compile_context>

<pallas_src>
import functools

import jax
import jax.numpy as jnp
from jax import lax
from jax.experimental import pallas as pl
from jax.experimental.pallas import tpu as pltpu
from jax.experimental.pallas import tpu_sc as plsc


def _make_pool_kernel(B, L, D):
    info = plsc.get_sparse_core_info()
    NC, NS, LN = info.num_cores, info.num_subcores, info.num_lanes
    NW = NC * NS
    assert B % NW == 0 and D == 2 * LN and L % 8 == 0
    BPW = B // NW
    CH1 = 128
    CH2 = L - CH1
    mesh = plsc.VectorSubcoreMesh(core_axis_name="c", subcore_axis_name="s")

    @functools.partial(
        pl.kernel,
        out_type=jax.ShapeDtypeStruct((B, 3 * D), jnp.float32),
        mesh=mesh,
        compiler_params=pltpu.CompilerParams(
            needs_layout_passes=False, use_tc_tiling_on_sc=False),
        scratch_types=[
            pltpu.VMEM((BPW, L), jnp.int32),
            pltpu.VMEM((BPW,), jnp.int32),
            pltpu.VMEM((L, D), jnp.float32),
            pltpu.VMEM((L, D), jnp.float32),
            pltpu.VMEM((BPW, 3 * D), jnp.float32),
            pltpu.SemaphoreType.DMA,
            pltpu.SemaphoreType.DMA,
        ],
    )
    def pool(x_h, len_h, tab_h, rep_h, idx_v, len_v, rows0_v, rows1_v,
             rep_v, sem0, sem1):
        wid = lax.axis_index("s") * NC + lax.axis_index("c")
        base = wid * BPW
        pltpu.sync_copy(x_h.at[pl.ds(base, BPW)], idx_v)
        pltpu.sync_copy(len_h.at[pl.ds(base, BPW)], len_v)
        rows = (rows0_v, rows1_v)
        sems = (sem0, sem1)

        def start_gather(i, b):
            pltpu.async_copy(
                tab_h.at[idx_v.at[i, pl.ds(0, CH1)]],
                rows[b].at[pl.ds(0, CH1)], sems[b])
            pltpu.async_copy(
                tab_h.at[idx_v.at[i, pl.ds(CH1, CH2)]],
                rows[b].at[pl.ds(CH1, CH2)], sems[b])

        def wait_gather(i, b):
            pltpu.make_async_copy(
                tab_h.at[idx_v.at[i, pl.ds(0, CH1)]],
                rows[b].at[pl.ds(0, CH1)], sems[b]).wait()
            pltpu.make_async_copy(
                tab_h.at[idx_v.at[i, pl.ds(CH1, CH2)]],
                rows[b].at[pl.ds(CH1, CH2)], sems[b]).wait()

        def compute_seq(i, b):
            g16 = pl.multiple_of((i // LN) * LN, 8)
            lvec = len_v[pl.ds(g16, LN)]
            lb = lax.gather(
                lvec,
                jnp.full((LN, 1), i % LN, jnp.int32),
                lax.GatherDimensionNumbers(
                    offset_dims=(), collapsed_slice_dims=(0,),
                    start_index_map=(0,)),
                slice_sizes=(1,),
                mode=lax.GatherScatterMode.PROMISE_IN_BOUNDS)
            n_rows = jnp.max(lb)
            inv_len = 1.0 / lb.astype(jnp.float32)
            rows_v = rows[b]

            big = jnp.full((LN,), 3.0e38, jnp.float32)
            zero = jnp.zeros((LN,), jnp.float32)

            def row_body(j, c):
                mn0, mn1, mx0, mx1, s0, s1 = c
                r0 = rows_v[j, pl.ds(0, LN)]
                r1 = rows_v[j, pl.ds(LN, LN)]
                return (jnp.minimum(mn0, r0), jnp.minimum(mn1, r1),
                        jnp.maximum(mx0, r0), jnp.maximum(mx1, r1),
                        s0 + r0, s1 + r1)

            n4 = n_rows & ~3
            c = plsc.parallel_loop(
                0, n4, unroll=4,
                carry=(big, big, -big, -big, zero, zero))(row_body)
            mn0, mn1, mx0, mx1, s0, s1 = lax.fori_loop(
                n4, n_rows, row_body, c)
            rep_v[i, pl.ds(0, LN)] = mn0
            rep_v[i, pl.ds(LN, LN)] = mn1
            rep_v[i, pl.ds(2 * LN, LN)] = s0 * inv_len
            rep_v[i, pl.ds(3 * LN, LN)] = s1 * inv_len
            rep_v[i, pl.ds(4 * LN, LN)] = mx0
            rep_v[i, pl.ds(5 * LN, LN)] = mx1

        def seq_body(p, _):
            for b in range(2):
                start_gather(2 * p + b, b)
            for b in range(2):
                i = 2 * p + b
                wait_gather(i, b)
                compute_seq(i, b)
            return 0

        lax.fori_loop(0, BPW // 2, seq_body, 0)
        pltpu.sync_copy(rep_v, rep_h.at[pl.ds(base, BPW)])

    return pool


def _linear(rep, w_t, b2):
    B, K = rep.shape
    OUT = w_t.shape[1]
    BLK = 512

    def body(rep_ref, w_ref, b_ref, out_ref):
        out_ref[...] = jnp.dot(
            rep_ref[...], w_ref[...],
            preferred_element_type=jnp.float32) + b_ref[...]

    return pl.pallas_call(
        body,
        grid=(B // BLK,),
        in_specs=[
            pl.BlockSpec((BLK, K), lambda i: (i, 0)),
            pl.BlockSpec((K, OUT), lambda i: (0, 0)),
            pl.BlockSpec((1, OUT), lambda i: (0, 0)),
        ],
        out_specs=pl.BlockSpec((BLK, OUT), lambda i: (i, 0)),
        out_shape=jax.ShapeDtypeStruct((B, OUT), jnp.float32),
    )(rep, w_t, b2)


def kernel(x, lengths, table, W, b):
    B, L = x.shape
    V, D = table.shape
    x32 = x.astype(jnp.int32)
    lens = lengths.astype(jnp.int32)
    pool = _make_pool_kernel(B, L, D)
    rep = pool(x32, lens, table)
    return _linear(rep, W.T, b.reshape(1, -1))

# --- scband reference (transcript-rebuilt; emitter-appended) ---
"""Pipeline reference for scband-baseline-dnn-11201274708544 (READ-ONLY COPY).

The authoritative reference and input builder live on the scoring server;
editing this copy changes nothing except your own understanding.
"""

import jax, jax.numpy as jnp
import numpy as np

VOCAB = 1000000
DIM = 32
B = 4096
L = 200
OUT = 10


def setup_inputs(seed: int = 0) -> dict:
    key = jax.random.key(seed)
    k1, k2, k3, k4 = jax.random.split(key, 4)
    x = jax.random.randint(k1, (B, L), 0, VOCAB)
    lengths = jax.random.randint(k2, (B,), 1, L + 1)
    table = jax.random.normal(k3, (VOCAB, DIM), dtype=jnp.float32) * 0.1
    W = jax.random.normal(k4, (OUT, 3 * DIM), dtype=jnp.float32) * 0.02
    b = jnp.zeros((OUT,), dtype=jnp.float32)
    return {"x": x, "lengths": lengths, "table": table, "W": W, "b": b}


def reference(x, lengths, table, W, b):
    # 1. embedding lookup (gather)
    emb = jnp.take(table, x, axis=0)  # [B, L, D]
    # valid-token mask from lengths
    mask = jnp.arange(L)[None, :] < lengths[:, None]  # [B, L] bool
    maskf = mask[:, :, None].astype(emb.dtype)
    # masked mean over sequence
    s = jnp.sum(emb * maskf, axis=1)  # [B, D]
    mean = s / lengths[:, None].astype(emb.dtype)
    # masked max / min over sequence
    mx = jnp.max(jnp.where(mask[:, :, None], emb, -jnp.inf), axis=1)
    mn = jnp.min(jnp.where(mask[:, :, None], emb, jnp.inf), axis=1)
    # 2. concat(min, mean, max) representation
    rep = jnp.concatenate([mn, mean, mx], axis=-1)  # [B, 3*D]
    # 3. linear projection to classes
    logits = rep @ W.T + b  # [B, OUT]
    return logits

if __name__ == "__main__":
    import jax
    _d = setup_inputs()
    print(jax.jit(kernel)(*tuple(_d.values())))

</pallas_src>

<mosaic_0001>
#map = affine_map<(d0, d1) -> (0, 0)>
#map1 = affine_map<(d0, d1) -> (0)>
module attributes {stable_mosaic.version = 14 : i64} {
  func.func @pool(%arg0: i32, %arg1: i32, %arg2: memref<4096x200xi32, #tpu.memory_space<hbm>>, %arg3: memref<4096xi32, #tpu.memory_space<hbm>>, %arg4: memref<1000000x32xf32, #tpu.memory_space<hbm>>, %arg5: memref<4096x96xf32, #tpu.memory_space<hbm>>, %arg6: memref<128x200xi32, #tpu.memory_space<vmem>>, %arg7: memref<128xi32, #tpu.memory_space<vmem>>, %arg8: memref<200x32xf32, #tpu.memory_space<vmem>>, %arg9: memref<200x32xf32, #tpu.memory_space<vmem>>, %arg10: memref<128x96xf32, #tpu.memory_space<vmem>>, %arg11: memref<!tpu.dma_semaphore, #tpu.memory_space<semaphore_mem>>, %arg12: memref<!tpu.dma_semaphore, #tpu.memory_space<semaphore_mem>>) attributes {dimension_semantics = [#tpu.dimension_semantics<core_parallel>, #tpu.dimension_semantics<subcore_parallel>], iteration_bounds = array<i64: 2, 16>, scalar_prefetch = 0 : i64, scratch_operands = 7 : i64, tpu.core_type = #tpu.core_type<sc_vector_subcore>, window_params = [{transform_indices = #map}, {transform_indices = #map1}, {transform_indices = #map}, {transform_indices = #map}]} {
    %mul3A = arith.constant 2 : i32
    %mul3A_0 = arith.muli %arg1, %mul3A : i32
    %add3A = arith.addi %mul3A_0, %arg0 : i32
    %mul3A_1 = arith.constant 128 : i32
    %mul3A_2 = arith.muli %add3A, %mul3A_1 : i32
    "tpu.region"() ({
      %run_scoped3A = tpu.sem_alloc : memref<!tpu.dma_semaphore, #tpu.memory_space<semaphore_mem>>
      %dma_start3A = arith.constant 0 : i32
      %dma_start3A_9 = tpu.memref_slice %arg2[%mul3A_2, %dma_start3A] : memref<4096x200xi32, #tpu.memory_space<hbm>> -> memref<128x200xi32, #tpu.memory_space<hbm>>
      %dma_start3A_10 = arith.constant 0 : i32
      %dma_start3A_11 = tpu.memref_slice %arg2[%mul3A_2, %dma_start3A_10] : memref<4096x200xi32, #tpu.memory_space<hbm>> -> memref<128x200xi32, #tpu.memory_space<hbm>>
      tpu.enqueue_dma source(%dma_start3A_11 : memref<128x200xi32, #tpu.memory_space<hbm>>) target(%arg6 : memref<128x200xi32, #tpu.memory_space<vmem>>) target_semaphore(%run_scoped3A : memref<!tpu.dma_semaphore, #tpu.memory_space<semaphore_mem>>)
      %dma_wait3A = arith.constant 0 : i32
      %dma_wait3A_12 = tpu.memref_slice %arg2[%mul3A_2, %dma_wait3A] : memref<4096x200xi32, #tpu.memory_space<hbm>> -> memref<128x200xi32, #tpu.memory_space<hbm>>
      %dma_wait3A_13 = arith.constant 0 : i32
      %dma_wait3A_14 = tpu.memref_slice %arg2[%mul3A_2, %dma_wait3A_13] : memref<4096x200xi32, #tpu.memory_space<hbm>> -> memref<128x200xi32, #tpu.memory_space<hbm>>
      tpu.wait_dma2 semaphore(%run_scoped3A : memref<!tpu.dma_semaphore, #tpu.memory_space<semaphore_mem>>) src(%dma_wait3A_14 : memref<128x200xi32, #tpu.memory_space<hbm>>) dst(%arg6 : memref<128x200xi32, #tpu.memory_space<vmem>>)
      tpu.yield
    }) : () -> ()
    "tpu.region"() ({
      %run_scoped3A = tpu.sem_alloc : memref<!tpu.dma_semaphore, #tpu.memory_space<semaphore_mem>>
      %dma_start3A = tpu.memref_slice %arg3[%mul3A_2] : memref<4096xi32, #tpu.memory_space<hbm>> -> memref<128xi32, #tpu.memory_space<hbm>>
      %dma_start3A_9 = tpu.memref_slice %arg3[%mul3A_2] : memref<4096xi32, #tpu.memory_space<hbm>> -> memref<128xi32, #tpu.memory_space<hbm>>
      tpu.enqueue_dma source(%dma_start3A_9 : memref<128xi32, #tpu.memory_space<hbm>>) target(%arg7 : memref<128xi32, #tpu.memory_space<vmem>>) target_semaphore(%run_scoped3A : memref<!tpu.dma_semaphore, #tpu.memory_space<semaphore_mem>>)
      %dma_wait3A = tpu.memref_slice %arg3[%mul3A_2] : memref<4096xi32, #tpu.memory_space<hbm>> -> memref<128xi32, #tpu.memory_space<hbm>>
      %dma_wait3A_10 = tpu.memref_slice %arg3[%mul3A_2] : memref<4096xi32, #tpu.memory_space<hbm>> -> memref<128xi32, #tpu.memory_space<hbm>>
      tpu.wait_dma2 semaphore(%run_scoped3A : memref<!tpu.dma_semaphore, #tpu.memory_space<semaphore_mem>>) src(%dma_wait3A_10 : memref<128xi32, #tpu.memory_space<hbm>>) dst(%arg7 : memref<128xi32, #tpu.memory_space<vmem>>)
      tpu.yield
    }) : () -> ()
    %scan3A = arith.constant 0 : i32
    %scan3A_3 = arith.constant 0 : i32
    %scan3A_4 = arith.constant 64 : i32
    %scan3A_5 = arith.addi %scan3A_3, %scan3A_4 : i32
    %scan3A_6 = arith.constant 1 : i32
    %scan3A_7 = scf.for %scan3A_9 = %scan3A_3 to %scan3A_5 step %scan3A_6 iter_args(%scan3A_10 = %scan3A) -> (i32)  : i32 {
      %mul3A_11 = arith.constant 2 : i32
      %mul3A_12 = arith.muli %mul3A_11, %scan3A_9 : i32
      %add3A_13 = arith.constant 0 : i32
      %add3A_14 = arith.addi %mul3A_12, %add3A_13 : i32
      %dma_start3A = arith.constant 0 : i32
      %dma_start3A_15 = arith.constant 0 : i32
      %dma_start3A_16 = tpu.memref_slice %arg8[%dma_start3A, %dma_start3A_15] : memref<200x32xf32, #tpu.memory_space<vmem>> -> memref<128x32xf32, #tpu.memory_space<vmem>>
      %dma_start3A_17 = arith.constant 0 : i32
      %dma_start3A_18 = tpu.memref_slice %arg6[%add3A_14, %dma_start3A_17] : memref<128x200xi32, #tpu.memory_space<vmem>> -> memref<1x128xi32, #tpu.memory_space<vmem>>
      %dma_start3A_19 = tpu.memref_squeeze %dma_start3A_18 : memref<1x128xi32, #tpu.memory_space<vmem>> -> memref<128xi32, #tpu.memory_space<vmem>>
      %dma_start3A_20 = arith.constant 0 : i32
      %dma_start3A_21 = arith.constant 0 : i32
      %dma_start3A_22 = tpu.memref_slice %arg4[%dma_start3A_20, %dma_start3A_21] : memref<1000000x32xf32, #tpu.memory_space<hbm>> -> memref<1000000x32xf32, #tpu.memory_space<hbm>>
      tpu.enqueue_indirect_dma source(%dma_start3A_22 : memref<1000000x32xf32, #tpu.memory_space<hbm>>) target(%dma_start3A_16 : memref<128x32xf32, #tpu.memory_space<vmem>>) offsets(%dma_start3A_19 : memref<128xi32, #tpu.memory_space<vmem>>) semaphore(%arg11 : memref<!tpu.dma_semaphore, #tpu.memory_space<semaphore_mem>>)
      %dma_start3A_23 = arith.constant 128 : i32
      %dma_start3A_24 = arith.constant 0 : i32
      %dma_start3A_25 = tpu.memref_slice %arg8[%dma_start3A_23, %dma_start3A_24] : memref<200x32xf32, #tpu.memory_space<vmem>> -> memref<72x32xf32, #tpu.memory_space<vmem>>
      %dma_start3A_26 = arith.constant 128 : i32
      %dma_start3A_27 = tpu.memref_slice %arg6[%add3A_14, %dma_start3A_26] : memref<128x200xi32, #tpu.memory_space<vmem>> -> memref<1x72xi32, #tpu.memory_space<vmem>>
      %dma_start3A_28 = tpu.memref_squeeze %dma_start3A_27 : memref<1x72xi32, #tpu.memory_space<vmem>> -> memref<72xi32, #tpu.memory_space<vmem>>
      %dma_start3A_29 = arith.constant 0 : i32
      %dma_start3A_30 = arith.constant 0 : i32
      %dma_start3A_31 = tpu.memref_slice %arg4[%dma_start3A_29, %dma_start3A_30] : memref<1000000x32xf32, #tpu.memory_space<hbm>> -> memref<1000000x32xf32, #tpu.memory_space<hbm>>
      tpu.enqueue_indirect_dma source(%dma_start3A_31 : memref<1000000x32xf32, #tpu.memory_space<hbm>>) target(%dma_start3A_25 : memref<72x32xf32, #tpu.memory_space<vmem>>) offsets(%dma_start3A_28 : memref<72xi32, #tpu.memory_space<vmem>>) semaphore(%arg11 : memref<!tpu.dma_semaphore, #tpu.memory_space<semaphore_mem>>)
      %mul3A_32 = arith.constant 2 : i32
      %mul3A_33 = arith.muli %mul3A_32, %scan3A_9 : i32
      %add3A_34 = arith.constant 1 : i32
      %add3A_35 = arith.addi %mul3A_33, %add3A_34 : i32
      %dma_start3A_36 = arith.constant 0 : i32
      %dma_start3A_37 = arith.constant 0 : i32
      %dma_start3A_38 = tpu.memref_slice %arg9[%dma_start3A_36, %dma_start3A_37] : memref<200x32xf32, #tpu.memory_space<vmem>> -> memref<128x32xf32, #tpu.memory_space<vmem>>
      %dma_start3A_39 = arith.constant 0 : i32
      %dma_start3A_40 = tpu.memref_slice %arg6[%add3A_35, %dma_start3A_39] : memref<128x200xi32, #tpu.memory_space<vmem>> -> memref<1x128xi32, #tpu.memory_space<vmem>>
      %dma_start3A_41 = tpu.memref_squeeze %dma_start3A_40 : memref<1x128xi32, #tpu.memory_space<vmem>> -> memref<128xi32, #tpu.memory_space<vmem>>
      %dma_start3A_42 = arith.constant 0 : i32
      %dma_start3A_43 = arith.constant 0 : i32
      %dma_start3A_44 = tpu.memref_slice %arg4[%dma_start3A_42, %dma_start3A_43] : memref<1000000x32xf32, #tpu.memory_space<hbm>> -> memref<1000000x32xf32, #tpu.memory_space<hbm>>
      tpu.enqueue_indirect_dma source(%dma_start3A_44 : memref<1000000x32xf32, #tpu.memory_space<hbm>>) target(%dma_start3A_38 : memref<128x32xf32, #tpu.memory_space<vmem>>) offsets(%dma_start3A_41 : memref<128xi32, #tpu.memory_space<vmem>>) semaphore(%arg12 : memref<!tpu.dma_semaphore, #tpu.memory_space<semaphore_mem>>)
      %dma_start3A_45 = arith.constant 128 : i32
      %dma_start3A_46 = arith.constant 0 : i32
      %dma_start3A_47 = tpu.memref_slice %arg9[%dma_start3A_45, %dma_start3A_46] : memref<200x32xf32, #tpu.memory_space<vmem>> -> memref<72x32xf32, #tpu.memory_space<vmem>>
      %dma_start3A_48 = arith.constant 128 : i32
      %dma_start3A_49 = tpu.memref_slice %arg6[%add3A_35, %dma_start3A_48] : memref<128x200xi32, #tpu.memory_space<vmem>> -> memref<1x72xi32, #tpu.memory_space<vmem>>
      %dma_start3A_50 = tpu.memref_squeeze %dma_start3A_49 : memref<1x72xi32, #tpu.memory_space<vmem>> -> memref<72xi32, #tpu.memory_space<vmem>>
      %dma_start3A_51 = arith.constant 0 : i32
      %dma_start3A_52 = arith.constant 0 : i32
      %dma_start3A_53 = tpu.memref_slice %arg4[%dma_start3A_51, %dma_start3A_52] : memref<1000000x32xf32, #tpu.memory_space<hbm>> -> memref<1000000x32xf32, #tpu.memory_space<hbm>>
      tpu.enqueue_indirect_dma source(%dma_start3A_53 : memref<1000000x32xf32, #tpu.memory_space<hbm>>) target(%dma_start3A_47 : memref<72x32xf32, #tpu.memory_space<vmem>>) offsets(%dma_start3A_50 : memref<72xi32, #tpu.memory_space<vmem>>) semaphore(%arg12 : memref<!tpu.dma_semaphore, #tpu.memory_space<semaphore_mem>>)
      %mul3A_54 = arith.constant 2 : i32
      %mul3A_55 = arith.muli %mul3A_54, %scan3A_9 : i32
      %add3A_56 = arith.constant 0 : i32
      %add3A_57 = arith.addi %mul3A_55, %add3A_56 : i32
      %dma_wait3A = arith.constant 0 : i32
      %dma_wait3A_58 = arith.constant 0 : i32
      %dma_wait3A_59 = tpu.memref_slice %arg8[%dma_wait3A, %dma_wait3A_58] : memref<200x32xf32, #tpu.memory_space<vmem>> -> memref<128x32xf32, #tpu.memory_space<vmem>>
      %dma_wait3A_60 = arith.constant 0 : i32
      %dma_wait3A_61 = tpu.memref_slice %arg6[%add3A_57, %dma_wait3A_60] : memref<128x200xi32, #tpu.memory_space<vmem>> -> memref<1x128xi32, #tpu.memory_space<vmem>>
      %dma_wait3A_62 = tpu.memref_squeeze %dma_wait3A_61 : memref<1x128xi32, #tpu.memory_space<vmem>> -> memref<128xi32, #tpu.memory_space<vmem>>
      %dma_wait3A_63 = arith.constant 0 : i32
      %dma_wait3A_64 = arith.constant 0 : i32
      %dma_wait3A_65 = tpu.memref_slice %arg4[%dma_wait3A_63, %dma_wait3A_64] : memref<1000000x32xf32, #tpu.memory_space<hbm>> -> memref<1000000x32xf32, #tpu.memory_space<hbm>>
      tpu.wait_indirect_dma semaphore(%arg11 : memref<!tpu.dma_semaphore, #tpu.memory_space<semaphore_mem>>) src(%dma_wait3A_65 : memref<1000000x32xf32, #tpu.memory_space<hbm>>) dst(%dma_wait3A_59 : memref<128x32xf32, #tpu.memory_space<vmem>>)
      %dma_wait3A_66 = arith.constant 128 : i32
      %dma_wait3A_67 = arith.constant 0 : i32
      %dma_wait3A_68 = tpu.memref_slice %arg8[%dma_wait3A_66, %dma_wait3A_67] : memref<200x32xf32, #tpu.memory_space<vmem>> -> memref<72x32xf32, #tpu.memory_space<vmem>>
      %dma_wait3A_69 = arith.constant 128 : i32
      %dma_wait3A_70 = tpu.memref_slice %arg6[%add3A_57, %dma_wait3A_69] : memref<128x200xi32, #tpu.memory_space<vmem>> -> memref<1x72xi32, #tpu.memory_space<vmem>>
      %dma_wait3A_71 = tpu.memref_squeeze %dma_wait3A_70 : memref<1x72xi32, #tpu.memory_space<vmem>> -> memref<72xi32, #tpu.memory_space<vmem>>
      %dma_wait3A_72 = arith.constant 0 : i32
      %dma_wait3A_73 = arith.constant 0 : i32
      %dma_wait3A_74 = tpu.memref_slice %arg4[%dma_wait3A_72, %dma_wait3A_73] : memref<1000000x32xf32, #tpu.memory_space<hbm>> -> memref<1000000x32xf32, #tpu.memory_space<hbm>>
      tpu.wait_indirect_dma semaphore(%arg11 : memref<!tpu.dma_semaphore, #tpu.memory_space<semaphore_mem>>) src(%dma_wait3A_74 : memref<1000000x32xf32, #tpu.memory_space<hbm>>) dst(%dma_wait3A_68 : memref<72x32xf32, #tpu.memory_space<vmem>>)
      %jit3A = arith.constant 16 : i32
      %div3A = arith.divsi %add3A_57, %jit3A : i32
      %sign3A = arith.constant 0 : i32
      %sign3A_75 = arith.cmpi sgt, %add3A_57, %sign3A : i32
      %sign3A_76 = arith.extui %sign3A_75 : i1 to i32
      %sign3A_77 = arith.constant 0 : i32
      %sign3A_78 = arith.cmpi slt, %add3A_57, %sign3A_77 : i32
      %sign3A_79 = arith.extui %sign3A_78 : i1 to i32
      %sign3A_80 = arith.subi %sign3A_76, %sign3A_79 : i32
      %sign3A_81 = arith.constant 0 : i32
      %sign3A_82 = arith.cmpi sgt, %jit3A, %sign3A_81 : i32
      %sign3A_83 = arith.extui %sign3A_82 : i1 to i32
      %sign3A_84 = arith.constant 0 : i32
      %sign3A_85 = arith.cmpi slt, %jit3A, %sign3A_84 : i32
      %sign3A_86 = arith.extui %sign3A_85 : i1 to i32
      %sign3A_87 = arith.subi %sign3A_83, %sign3A_86 : i32
      %ne3A = arith.cmpi ne, %sign3A_80, %sign3A_87 : i32
      %rem3A = arith.remsi %add3A_57, %jit3A : i32
      %ne3A_88 = arith.constant 0 : i32
      %ne3A_89 = arith.cmpi ne, %rem3A, %ne3A_88 : i32
      %and3A = arith.andi %ne3A, %ne3A_89 : i1
      %sub3A = arith.constant 1 : i32
      %sub3A_90 = arith.subi %div3A, %sub3A : i32
      %select_n3A = arith.select %and3A, %sub3A_90, %div3A : i32
      %mul3A_91 = arith.constant 16 : i32
      %mul3A_92 = arith.muli %select_n3A, %mul3A_91 : i32
      %multiple_of3A = tpu.assume_multiple %mul3A_92, 8 : i32
      %get3A = arith.index_cast %multiple_of3A : i32 to index
      %get3A_93 = tpu.vector_load %arg7[%get3A] {strides = array<i32>} : memref<128xi32, #tpu.memory_space<vmem>>, vector<16xi32>,
      %jit3A_94 = arith.constant 16 : i32
      %eq3A = arith.constant 0 : i32
      %eq3A_95 = arith.cmpi eq, %jit3A_94, %eq3A : i32
      %jit3A_96 = arith.constant 1 : i32
      %select_n3A_97 = arith.select %eq3A_95, %jit3A_96, %jit3A_94 : i32
      %rem3A_98 = arith.remsi %add3A_57, %select_n3A_97 : i32
      %ne3A_99 = arith.constant 0 : i32
      %ne3A_100 = arith.cmpi ne, %rem3A_98, %ne3A_99 : i32
      %lt3A = arith.constant 0 : i32
      %lt3A_101 = arith.cmpi slt, %rem3A_98, %lt3A : i32
      %lt3A_102 = arith.constant 0 : i32
      %lt3A_103 = arith.cmpi slt, %select_n3A_97, %lt3A_102 : i32
      %ne3A_104 = arith.xori %lt3A_101, %lt3A_103 : i1
      %and3A_105 = arith.andi %ne3A_104, %ne3A_100 : i1
      %add3A_106 = arith.addi %rem3A_98, %select_n3A_97 : i32
      %select_n3A_107 = arith.select %and3A_105, %add3A_106, %rem3A_98 : i32
      %broadcast_in_dim3A = vector.broadcast %select_n3A_107 : i32 to vector<16x1xi32>
      %gather3A = vector.shape_cast %broadcast_in_dim3A : vector<16x1xi32> to vector<16xi32>
      %gather3A_108 = tpu.dynamic_gather %get3A_93[%gather3A] in [0] : vector<16xi32>, vector<16xi32> -> vector<16xi32>
      %reduce_max3A = arith.constant true
      %reduce_max3A_109 = vector.broadcast %reduce_max3A : i1 to vector<16xi1>
      %reduce_max3A_110 = arith.constant -2147483648 : i32
      %reduce_max3A_111 = vector.broadcast %reduce_max3A_110 : i32 to vector<16xi32>
      %reduce_max3A_112 = arith.xori %gather3A_108, %reduce_max3A_111 : vector<16xi32>
      %reduce_max3A_113 = tpu.scan <max>, %reduce_max3A_112 masked %reduce_max3A_109 : vector<16xi32>, vector<16xi1> -> vector<16xi32>
      %reduce_max3A_114 = arith.xori %reduce_max3A_113, %reduce_max3A_111 : vector<16xi32>
      %reduce_max3A_115 = vector.extract %reduce_max3A_114[15] : i32 from vector<16xi32>
      %convert_element_type3A = arith.sitofp %gather3A_108 : vector<16xi32> to vector<16xf32>
      %div3A_116 = arith.constant 1.000000e+00 : f32
      %div3A_117 = vector.broadcast %div3A_116 : f32 to vector<16xf32>
      %div3A_118 = arith.divf %div3A_117, %convert_element_type3A : vector<16xf32>
      %broadcast_in_dim3A_119 = arith.constant 3.000000e+38 : f32
      %broadcast_in_dim3A_120 = vector.broadcast %broadcast_in_dim3A_119 : f32 to vector<16xf32>
      %broadcast_in_dim3A_121 = arith.constant 0.000000e+00 : f32
      %broadcast_in_dim3A_122 = vector.broadcast %broadcast_in_dim3A_121 : f32 to vector<16xf32>
      %and3A_123 = arith.constant -4 : i32
      %and3A_124 = arith.andi %reduce_max3A_115, %and3A_123 : i32
      %neg3A = arith.constant 0.000000e+00 : f32
      %neg3A_125 = vector.broadcast %neg3A : f32 to vector<16xf32>
      %neg3A_126 = arith.subf %neg3A_125, %broadcast_in_dim3A_120 : vector<16xf32>
      %neg3A_127 = arith.constant 0.000000e+00 : f32
      %neg3A_128 = vector.broadcast %neg3A_127 : f32 to vector<16xf32>
      %neg3A_129 = arith.subf %neg3A_128, %broadcast_in_dim3A_120 : vector<16xf32>
      %parallel_loop3A = arith.constant 0 : i32
      %parallel_loop3A_130 = arith.constant 1 : i32
      %parallel_loop3A_131:6 = scf.for %parallel_loop3A_288 = %parallel_loop3A to %and3A_124 step %parallel_loop3A_130 iter_args(%parallel_loop3A_289 = %broadcast_in_dim3A_120, %parallel_loop3A_290 = %broadcast_in_dim3A_120, %parallel_loop3A_291 = %neg3A_126, %parallel_loop3A_292 = %neg3A_129, %parallel_loop3A_293 = %broadcast_in_dim3A_122, %parallel_loop3A_294 = %broadcast_in_dim3A_122) -> (vector<16xf32>, vector<16xf32>, vector<16xf32>, vector<16xf32>, vector<16xf32>, vector<16xf32>)  : i32 {
        %parallel_loop3A_295 = arith.index_cast %parallel_loop3A_288 : i32 to index
        %parallel_loop3A_296 = arith.constant 0 : index
        %parallel_loop3A_297 = tpu.vector_load %arg8[%parallel_loop3A_295, %parallel_loop3A_296] {strides = array<i32>} : memref<200x32xf32, #tpu.memory_space<vmem>>, vector<16xf32>,
        %parallel_loop3A_298 = arith.index_cast %parallel_loop3A_288 : i32 to index
        %parallel_loop3A_299 = arith.constant 16 : index
        %parallel_loop3A_300 = tpu.vector_load %arg8[%parallel_loop3A_298, %parallel_loop3A_299] {strides = array<i32>} : memref<200x32xf32, #tpu.memory_space<vmem>>, vector<16xf32>,
        %parallel_loop3A_301 = arith.minimumf %parallel_loop3A_289, %parallel_loop3A_297 : vector<16xf32>
        %parallel_loop3A_302 = arith.minimumf %parallel_loop3A_290, %parallel_loop3A_300 : vector<16xf32>
        %parallel_loop3A_303 = arith.maximumf %parallel_loop3A_291, %parallel_loop3A_297 : vector<16xf32>
        %parallel_loop3A_304 = arith.maximumf %parallel_loop3A_292, %parallel_loop3A_300 : vector<16xf32>
        %parallel_loop3A_305 = arith.addf %parallel_loop3A_293, %parallel_loop3A_297 : vector<16xf32>
        %parallel_loop3A_306 = arith.addf %parallel_loop3A_294, %parallel_loop3A_300 : vector<16xf32>
        scf.yield %parallel_loop3A_301, %parallel_loop3A_302, %parallel_loop3A_303, %parallel_loop3A_304, %parallel_loop3A_305, %parallel_loop3A_306 : vector<16xf32>, vector<16xf32>, vector<16xf32>, vector<16xf32>, vector<16xf32>, vector<16xf32>
      } {sc.loop_unroll_factor = 4 : i64, sc.parallel_access}
      %while3A = arith.subi %reduce_max3A_115, %and3A_124 : i32
      %while3A_132 = arith.addi %and3A_124, %while3A : i32
      %while3A_133 = arith.constant 1 : i32
      %while3A_134 = arith.divsi %while3A, %while3A_133 : i32
      %while3A_135 = arith.muli %while3A_134, %while3A_133 : i32
      %while3A_136 = arith.addi %and3A_124, %while3A_135 : i32
      %while3A_137 = arith.constant 1 : i32
      %while3A_138:6 = scf.for %while3A_288 = %and3A_124 to %while3A_136 step %while3A_137 iter_args(%while3A_289 = %parallel_loop3A_131#0, %while3A_290 = %parallel_loop3A_131#1, %while3A_291 = %parallel_loop3A_131#2, %while3A_292 = %parallel_loop3A_131#3, %while3A_293 = %parallel_loop3A_131#4, %while3A_294 = %parallel_loop3A_131#5) -> (vector<16xf32>, vector<16xf32>, vector<16xf32>, vector<16xf32>, vector<16xf32>, vector<16xf32>)  : i32 {
        %get3A_295 = arith.index_cast %while3A_288 : i32 to index
        %get3A_296 = arith.constant 0 : index
        %get3A_297 = tpu.vector_load %arg8[%get3A_295, %get3A_296] {strides = array<i32>} : memref<200x32xf32, #tpu.memory_space<vmem>>, vector<16xf32>,
        %get3A_298 = arith.index_cast %while3A_288 : i32 to index
        %get3A_299 = arith.constant 16 : index
        %get3A_300 = tpu.vector_load %arg8[%get3A_298, %get3A_299] {strides = array<i32>} : memref<200x32xf32, #tpu.memory_space<vmem>>, vector<16xf32>,
        %min3A = arith.minimumf %while3A_289, %get3A_297 : vector<16xf32>
        %min3A_301 = arith.minimumf %while3A_290, %get3A_300 : vector<16xf32>
        %max3A = arith.maximumf %while3A_291, %get3A_297 : vector<16xf32>
        %max3A_302 = arith.maximumf %while3A_292, %get3A_300 : vector<16xf32>
        %add3A_303 = arith.addf %while3A_293, %get3A_297 : vector<16xf32>
        %add3A_304 = arith.addf %while3A_294, %get3A_300 : vector<16xf32>
        scf.yield %min3A, %min3A_301, %max3A, %max3A_302, %add3A_303, %add3A_304 : vector<16xf32>, vector<16xf32>, vector<16xf32>, vector<16xf32>, vector<16xf32>, vector<16xf32>
      }
      %while3A_139 = arith.constant 1 : i32
      %while3A_140:6 = scf.for %while3A_288 = %while3A_136 to %while3A_132 step %while3A_139 iter_args(%while3A_289 = %while3A_138#0, %while3A_290 = %while3A_138#1, %while3A_291 = %while3A_138#2, %while3A_292 = %while3A_138#3, %while3A_293 = %while3A_138#4, %while3A_294 = %while3A_138#5) -> (vector<16xf32>, vector<16xf32>, vector<16xf32>, vector<16xf32>, vector<16xf32>, vector<16xf32>)  : i32 {
        %get3A_295 = arith.index_cast %while3A_288 : i32 to index
        %get3A_296 = arith.constant 0 : index
        %get3A_297 = tpu.vector_load %arg8[%get3A_295, %get3A_296] {strides = array<i32>} : memref<200x32xf32, #tpu.memory_space<vmem>>, vector<16xf32>,
        %get3A_298 = arith.index_cast %while3A_288 : i32 to index
        %get3A_299 = arith.constant 16 : index
        %get3A_300 = tpu.vector_load %arg8[%get3A_298, %get3A_299] {strides = array<i32>} : memref<200x32xf32, #tpu.memory_space<vmem>>, vector<16xf32>,
        %min3A = arith.minimumf %while3A_289, %get3A_297 : vector<16xf32>
        %min3A_301 = arith.minimumf %while3A_290, %get3A_300 : vector<16xf32>
        %max3A = arith.maximumf %while3A_291, %get3A_297 : vector<16xf32>
        %max3A_302 = arith.maximumf %while3A_292, %get3A_300 : vector<16xf32>
        %add3A_303 = arith.addf %while3A_293, %get3A_297 : vector<16xf32>
        %add3A_304 = arith.addf %while3A_294, %get3A_300 : vector<16xf32>
        scf.yield %min3A, %min3A_301, %max3A, %max3A_302, %add3A_303, %add3A_304 : vector<16xf32>, vector<16xf32>, vector<16xf32>, vector<16xf32>, vector<16xf32>, vector<16xf32>
      }
      %swap3A = arith.index_cast %add3A_57 : i32 to index
      %swap3A_141 = arith.constant 0 : index
      %swap3A_142 = tpu.vector_load %arg10[%swap3A, %swap3A_141] {strides = array<i32>} : memref<128x96xf32, #tpu.memory_space<vmem>>, vector<16xf32>,
      tpu.vector_store %arg10[%swap3A, %swap3A_141], %while3A_140#0 {strides = array<i32>} : memref<128x96xf32, #tpu.memory_space<vmem>>, vector<16xf32>,
      %swap3A_143 = arith.index_cast %add3A_57 : i32 to index
      %swap3A_144 = arith.constant 16 : index
      %swap3A_145 = tpu.vector_load %arg10[%swap3A_143, %swap3A_144] {strides = array<i32>} : memref<128x96xf32, #tpu.memory_space<vmem>>, vector<16xf32>,
      tpu.vector_store %arg10[%swap3A_143, %swap3A_144], %while3A_140#1 {strides = array<i32>} : memref<128x96xf32, #tpu.memory_space<vmem>>, vector<16xf32>,
      %mul3A_146 = arith.mulf %while3A_140#4, %div3A_118 : vector<16xf32>
      %swap3A_147 = arith.index_cast %add3A_57 : i32 to index
      %swap3A_148 = arith.constant 32 : index
      %swap3A_149 = tpu.vector_load %arg10[%swap3A_147, %swap3A_148] {strides = array<i32>} : memref<128x96xf32, #tpu.memory_space<vmem>>, vector<16xf32>,
      tpu.vector_store %arg10[%swap3A_147, %swap3A_148], %mul3A_146 {strides = array<i32>} : memref<128x96xf32, #tpu.memory_space<vmem>>, vector<16xf32>,
      %mul3A_150 = arith.mulf %while3A_140#5, %div3A_118 : vector<16xf32>
      %swap3A_151 = arith.index_cast %add3A_57 : i32 to index
      %swap3A_152 = arith.constant 48 : index
      %swap3A_153 = tpu.vector_load %arg10[%swap3A_151, %swap3A_152] {strides = array<i32>} : memref<128x96xf32, #tpu.memory_space<vmem>>, vector<16xf32>,
      tpu.vector_store %arg10[%swap3A_151, %swap3A_152], %mul3A_150 {strides = array<i32>} : memref<128x96xf32, #tpu.memory_space<vmem>>, vector<16xf32>,
      %swap3A_154 = arith.index_cast %add3A_57 : i32 to index
      %swap3A_155 = arith.constant 64 : index
      %swap3A_156 = tpu.vector_load %arg10[%swap3A_154, %swap3A_155] {strides = array<i32>} : memref<128x96xf32, #tpu.memory_space<vmem>>, vector<16xf32>,
      tpu.vector_store %arg10[%swap3A_154, %swap3A_155], %while3A_140#2 {strides = array<i32>} : memref<128x96xf32, #tpu.memory_space<vmem>>, vector<16xf32>,
      %swap3A_157 = arith.index_cast %add3A_57 : i32 to index
      %swap3A_158 = arith.constant 80 : index
      %swap3A_159 = tpu.vector_load %arg10[%swap3A_157, %swap3A_158] {strides = array<i32>} : memref<128x96xf32, #tpu.memory_space<vmem>>, vector<16xf32>,
      tpu.vector_store %arg10[%swap3A_157, %swap3A_158], %while3A_140#3 {strides = array<i32>} : memref<128x96xf32, #tpu.memory_space<vmem>>, vector<16xf32>,
      %mul3A_160 = arith.constant 2 : i32
      %mul3A_161 = arith.muli %mul3A_160, %scan3A_9 : i32
      %add3A_162 = arith.constant 1 : i32
      %add3A_163 = arith.addi %mul3A_161, %add3A_162 : i32
      %dma_wait3A_164 = arith.constant 0 : i32
      %dma_wait3A_165 = arith.constant 0 : i32
      %dma_wait3A_166 = tpu.memref_slice %arg9[%dma_wait3A_164, %dma_wait3A_165] : memref<200x32xf32, #tpu.memory_space<vmem>> -> memref<128x32xf32, #tpu.memory_space<vmem>>
      %dma_wait3A_167 = arith.constant 0 : i32
      %dma_wait3A_168 = tpu.memref_slice %arg6[%add3A_163, %dma_wait3A_167] : memref<128x200xi32, #tpu.memory_space<vmem>> -> memref<1x128xi32, #tpu.memory_space<vmem>>
      %dma_wait3A_169 = tpu.memref_squeeze %dma_wait3A_168 : memref<1x128xi32, #tpu.memory_space<vmem>> -> memref<128xi32, #tpu.memory_space<vmem>>
      %dma_wait3A_170 = arith.constant 0 : i32
      %dma_wait3A_171 = arith.constant 0 : i32
      %dma_wait3A_172 = tpu.memref_slice %arg4[%dma_wait3A_170, %dma_wait3A_171] : memref<1000000x32xf32, #tpu.memory_space<hbm>> -> memref<1000000x32xf32, #tpu.memory_space<hbm>>
      tpu.wait_indirect_dma semaphore(%arg12 : memref<!tpu.dma_semaphore, #tpu.memory_space<semaphore_mem>>) src(%dma_wait3A_172 : memref<1000000x32xf32, #tpu.memory_space<hbm>>) dst(%dma_wait3A_166 : memref<128x32xf32, #tpu.memory_space<vmem>>)
      %dma_wait3A_173 = arith.constant 128 : i32
      %dma_wait3A_174 = arith.constant 0 : i32
      %dma_wait3A_175 = tpu.memref_slice %arg9[%dma_wait3A_173, %dma_wait3A_174] : memref<200x32xf32, #tpu.memory_space<vmem>> -> memref<72x32xf32, #tpu.memory_space<vmem>>
      %dma_wait3A_176 = arith.constant 128 : i32
      %dma_wait3A_177 = tpu.memref_slice %arg6[%add3A_163, %dma_wait3A_176] : memref<128x200xi32, #tpu.memory_space<vmem>> -> memref<1x72xi32, #tpu.memory_space<vmem>>
      %dma_wait3A_178 = tpu.memref_squeeze %dma_wait3A_177 : memref<1x72xi32, #tpu.memory_space<vmem>> -> memref<72xi32, #tpu.memory_space<vmem>>
      %dma_wait3A_179 = arith.constant 0 : i32
      %dma_wait3A_180 = arith.constant 0 : i32
      %dma_wait3A_181 = tpu.memref_slice %arg4[%dma_wait3A_179, %dma_wait3A_180] : memref<1000000x32xf32, #tpu.memory_space<hbm>> -> memref<1000000x32xf32, #tpu.memory_space<hbm>>
      tpu.wait_indirect_dma semaphore(%arg12 : memref<!tpu.dma_semaphore, #tpu.memory_space<semaphore_mem>>) src(%dma_wait3A_181 : memref<1000000x32xf32, #tpu.memory_space<hbm>>) dst(%dma_wait3A_175 : memref<72x32xf32, #tpu.memory_space<vmem>>)
      %jit3A_182 = arith.constant 16 : i32
      %div3A_183 = arith.divsi %add3A_163, %jit3A_182 : i32
      %sign3A_184 = arith.constant 0 : i32
      %sign3A_185 = arith.cmpi sgt, %add3A_163, %sign3A_184 : i32
      %sign3A_186 = arith.extui %sign3A_185 : i1 to i32
      %sign3A_187 = arith.constant 0 : i32
      %sign3A_188 = arith.cmpi slt, %add3A_163, %sign3A_187 : i32
      %sign3A_189 = arith.extui %sign3A_188 : i1 to i32
      %sign3A_190 = arith.subi %sign3A_186, %sign3A_189 : i32
      %sign3A_191 = arith.constant 0 : i32
      %sign3A_192 = arith.cmpi sgt, %jit3A_182, %sign3A_191 : i32
      %sign3A_193 = arith.extui %sign3A_192 : i1 to i32
      %sign3A_194 = arith.constant 0 : i32
      %sign3A_195 = arith.cmpi slt, %jit3A_182, %sign3A_194 : i32
      %sign3A_196 = arith.extui %sign3A_195 : i1 to i32
      %sign3A_197 = arith.subi %sign3A_193, %sign3A_196 : i32
      %ne3A_198 = arith.cmpi ne, %sign3A_190, %sign3A_197 : i32
      %rem3A_199 = arith.remsi %add3A_163, %jit3A_182 : i32
      %ne3A_200 = arith.constant 0 : i32
      %ne3A_201 = arith.cmpi ne, %rem3A_199, %ne3A_200 : i32
      %and3A_202 = arith.andi %ne3A_198, %ne3A_201 : i1
      %sub3A_203 = arith.constant 1 : i32
      %sub3A_204 = arith.subi %div3A_183, %sub3A_203 : i32
      %select_n3A_205 = arith.select %and3A_202, %sub3A_204, %div3A_183 : i32
      %mul3A_206 = arith.constant 16 : i32
      %mul3A_207 = arith.muli %select_n3A_205, %mul3A_206 : i32
      %multiple_of3A_208 = tpu.assume_multiple %mul3A_207, 8 : i32
      %get3A_209 = arith.index_cast %multiple_of3A_208 : i32 to index
      %get3A_210 = tpu.vector_load %arg7[%get3A_209] {strides = array<i32>} : memref<128xi32, #tpu.memory_space<vmem>>, vector<16xi32>,
      %jit3A_211 = arith.constant 16 : i32
      %eq3A_212 = arith.constant 0 : i32
      %eq3A_213 = arith.cmpi eq, %jit3A_211, %eq3A_212 : i32
      %jit3A_214 = arith.constant 1 : i32
      %select_n3A_215 = arith.select %eq3A_213, %jit3A_214, %jit3A_211 : i32
      %rem3A_216 = arith.remsi %add3A_163, %select_n3A_215 : i32
      %ne3A_217 = arith.constant 0 : i32
      %ne3A_218 = arith.cmpi ne, %rem3A_216, %ne3A_217 : i32
      %lt3A_219 = arith.constant 0 : i32
      %lt3A_220 = arith.cmpi slt, %rem3A_216, %lt3A_219 : i32
      %lt3A_221 = arith.constant 0 : i32
      %lt3A_222 = arith.cmpi slt, %select_n3A_215, %lt3A_221 : i32
      %ne3A_223 = arith.xori %lt3A_220, %lt3A_222 : i1
      %and3A_224 = arith.andi %ne3A_223, %ne3A_218 : i1
      %add3A_225 = arith.addi %rem3A_216, %select_n3A_215 : i32
      %select_n3A_226 = arith.select %and3A_224, %add3A_225, %rem3A_216 : i32
      %broadcast_in_dim3A_227 = vector.broadcast %select_n3A_226 : i32 to vector<16x1xi32>
      %gather3A_228 = vector.shape_cast %broadcast_in_dim3A_227 : vector<16x1xi32> to vector<16xi32>
      %gather3A_229 = tpu.dynamic_gather %get3A_210[%gather3A_228] in [0] : vector<16xi32>, vector<16xi32> -> vector<16xi32>
      %reduce_max3A_230 = arith.constant true
      %reduce_max3A_231 = vector.broadcast %reduce_max3A_230 : i1 to vector<16xi1>
      %reduce_max3A_232 = arith.constant -2147483648 : i32
      %reduce_max3A_233 = vector.broadcast %reduce_max3A_232 : i32 to vector<16xi32>
      %reduce_max3A_234 = arith.xori %gather3A_229, %reduce_max3A_233 : vector<16xi32>
      %reduce_max3A_235 = tpu.scan <max>, %reduce_max3A_234 masked %reduce_max3A_231 : vector<16xi32>, vector<16xi1> -> vector<16xi32>
      %reduce_max3A_236 = arith.xori %reduce_max3A_235, %reduce_max3A_233 : vector<16xi32>
      %reduce_max3A_237 = vector.extract %reduce_max3A_236[15] : i32 from vector<16xi32>
      %convert_element_type3A_238 = arith.sitofp %gather3A_229 : vector<16xi32> to vector<16xf32>
      %div3A_239 = arith.constant 1.000000e+00 : f32
      %div3A_240 = vector.broadcast %div3A_239 : f32 to vector<16xf32>
      %div3A_241 = arith.divf %div3A_240, %convert_element_type3A_238 : vector<16xf32>
      %broadcast_in_dim3A_242 = arith.constant 3.000000e+38 : f32
      %broadcast_in_dim3A_243 = vector.broadcast %broadcast_in_dim3A_242 : f32 to vector<16xf32>
      %broadcast_in_dim3A_244 = arith.constant 0.000000e+00 : f32
      %broadcast_in_dim3A_245 = vector.broadcast %broadcast_in_dim3A_244 : f32 to vector<16xf32>
      %and3A_246 = arith.constant -4 : i32
      %and3A_247 = arith.andi %reduce_max3A_237, %and3A_246 : i32
      %neg3A_248 = arith.constant 0.000000e+00 : f32
      %neg3A_249 = vector.broadcast %neg3A_248 : f32 to vector<16xf32>
      %neg3A_250 = arith.subf %neg3A_249, %broadcast_in_dim3A_243 : vector<16xf32>
      %neg3A_251 = arith.constant 0.000000e+00 : f32
      %neg3A_252 = vector.broadcast %neg3A_251 : f32 to vector<16xf32>
      %neg3A_253 = arith.subf %neg3A_252, %broadcast_in_dim3A_243 : vector<16xf32>
      %parallel_loop3A_254 = arith.constant 0 : i32
      %parallel_loop3A_255 = arith.constant 1 : i32
      %parallel_loop3A_256:6 = scf.for %parallel_loop3A_288 = %parallel_loop3A_254 to %and3A_247 step %parallel_loop3A_255 iter_args(%parallel_loop3A_289 = %broadcast_in_dim3A_243, %parallel_loop3A_290 = %broadcast_in_dim3A_243, %parallel_loop3A_291 = %neg3A_250, %parallel_loop3A_292 = %neg3A_253, %parallel_loop3A_293 = %broadcast_in_dim3A_245, %parallel_loop3A_294 = %broadcast_in_dim3A_245) -> (vector<16xf32>, vector<16xf32>, vector<16xf32>, vector<16xf32>, vector<16xf32>, vector<16xf32>)  : i32 {
        %parallel_loop3A_295 = arith.index_cast %parallel_loop3A_288 : i32 to index
        %parallel_loop3A_296 = arith.constant 0 : index
        %parallel_loop3A_297 = tpu.vector_load %arg9[%parallel_loop3A_295, %parallel_loop3A_296] {strides = array<i32>} : memref<200x32xf32, #tpu.memory_space<vmem>>, vector<16xf32>,
        %parallel_loop3A_298 = arith.index_cast %parallel_loop3A_288 : i32 to index
        %parallel_loop3A_299 = arith.constant 16 : index
        %parallel_loop3A_300 = tpu.vector_load %arg9[%parallel_loop3A_298, %parallel_loop3A_299] {strides = array<i32>} : memref<200x32xf32, #tpu.memory_space<vmem>>, vector<16xf32>,
        %parallel_loop3A_301 = arith.minimumf %parallel_loop3A_289, %parallel_loop3A_297 : vector<16xf32>
        %parallel_loop3A_302 = arith.minimumf %parallel_loop3A_290, %parallel_loop3A_300 : vector<16xf32>
        %parallel_loop3A_303 = arith.maximumf %parallel_loop3A_291, %parallel_loop3A_297 : vector<16xf32>
        %parallel_loop3A_304 = arith.maximumf %parallel_loop3A_292, %parallel_loop3A_300 : vector<16xf32>
        %parallel_loop3A_305 = arith.addf %parallel_loop3A_293, %parallel_loop3A_297 : vector<16xf32>
        %parallel_loop3A_306 = arith.addf %parallel_loop3A_294, %parallel_loop3A_300 : vector<16xf32>
        scf.yield %parallel_loop3A_301, %parallel_loop3A_302, %parallel_loop3A_303, %parallel_loop3A_304, %parallel_loop3A_305, %parallel_loop3A_306 : vector<16xf32>, vector<16xf32>, vector<16xf32>, vector<16xf32>, vector<16xf32>, vector<16xf32>
      } {sc.loop_unroll_factor = 4 : i64, sc.parallel_access}
      %while3A_257 = arith.subi %reduce_max3A_237, %and3A_247 : i32
      %while3A_258 = arith.addi %and3A_247, %while3A_257 : i32
      %while3A_259 = arith.constant 1 : i32
      %while3A_260 = arith.divsi %while3A_257, %while3A_259 : i32
      %while3A_261 = arith.muli %while3A_260, %while3A_259 : i32
      %while3A_262 = arith.addi %and3A_247, %while3A_261 : i32
      %while3A_263 = arith.constant 1 : i32
      %while3A_264:6 = scf.for %while3A_288 = %and3A_247 to %while3A_262 step %while3A_263 iter_args(%while3A_289 = %parallel_loop3A_256#0, %while3A_290 = %parallel_loop3A_256#1, %while3A_291 = %parallel_loop3A_256#2, %while3A_292 = %parallel_loop3A_256#3, %while3A_293 = %parallel_loop3A_256#4, %while3A_294 = %parallel_loop3A_256#5) -> (vector<16xf32>, vector<16xf32>, vector<16xf32>, vector<16xf32>, vector<16xf32>, vector<16xf32>)  : i32 {
        %get3A_295 = arith.index_cast %while3A_288 : i32 to index
        %get3A_296 = arith.constant 0 : index
        %get3A_297 = tpu.vector_load %arg9[%get3A_295, %get3A_296] {strides = array<i32>} : memref<200x32xf32, #tpu.memory_space<vmem>>, vector<16xf32>,
        %get3A_298 = arith.index_cast %while3A_288 : i32 to index
        %get3A_299 = arith.constant 16 : index
        %get3A_300 = tpu.vector_load %arg9[%get3A_298, %get3A_299] {strides = array<i32>} : memref<200x32xf32, #tpu.memory_space<vmem>>, vector<16xf32>,
        %min3A = arith.minimumf %while3A_289, %get3A_297 : vector<16xf32>
        %min3A_301 = arith.minimumf %while3A_290, %get3A_300 : vector<16xf32>
        %max3A = arith.maximumf %while3A_291, %get3A_297 : vector<16xf32>
        %max3A_302 = arith.maximumf %while3A_292, %get3A_300 : vector<16xf32>
        %add3A_303 = arith.addf %while3A_293, %get3A_297 : vector<16xf32>
        %add3A_304 = arith.addf %while3A_294, %get3A_300 : vector<16xf32>
        scf.yield %min3A, %min3A_301, %max3A, %max3A_302, %add3A_303, %add3A_304 : vector<16xf32>, vector<16xf32>, vector<16xf32>, vector<16xf32>, vector<16xf32>, vector<16xf32>
      }
      %while3A_265 = arith.constant 1 : i32
      %while3A_266:6 = scf.for %while3A_288 = %while3A_262 to %while3A_258 step %while3A_265 iter_args(%while3A_289 = %while3A_264#0, %while3A_290 = %while3A_264#1, %while3A_291 = %while3A_264#2, %while3A_292 = %while3A_264#3, %while3A_293 = %while3A_264#4, %while3A_294 = %while3A_264#5) -> (vector<16xf32>, vector<16xf32>, vector<16xf32>, vector<16xf32>, vector<16xf32>, vector<16xf32>)  : i32 {
        %get3A_295 = arith.index_cast %while3A_288 : i32 to index
        %get3A_296 = arith.constant 0 : index
        %get3A_297 = tpu.vector_load %arg9[%get3A_295, %get3A_296] {strides = array<i32>} : memref<200x32xf32, #tpu.memory_space<vmem>>, vector<16xf32>,
        %get3A_298 = arith.index_cast %while3A_288 : i32 to index
        %get3A_299 = arith.constant 16 : index
        %get3A_300 = tpu.vector_load %arg9[%get3A_298, %get3A_299] {strides = array<i32>} : memref<200x32xf32, #tpu.memory_space<vmem>>, vector<16xf32>,
        %min3A = arith.minimumf %while3A_289, %get3A_297 : vector<16xf32>
        %min3A_301 = arith.minimumf %while3A_290, %get3A_300 : vector<16xf32>
        %max3A = arith.maximumf %while3A_291, %get3A_297 : vector<16xf32>
        %max3A_302 = arith.maximumf %while3A_292, %get3A_300 : vector<16xf32>
        %add3A_303 = arith.addf %while3A_293, %get3A_297 : vector<16xf32>
        %add3A_304 = arith.addf %while3A_294, %get3A_300 : vector<16xf32>
        scf.yield %min3A, %min3A_301, %max3A, %max3A_302, %add3A_303, %add3A_304 : vector<16xf32>, vector<16xf32>, vector<16xf32>, vector<16xf32>, vector<16xf32>, vector<16xf32>
      }
      %swap3A_267 = arith.index_cast %add3A_163 : i32 to index
      %swap3A_268 = arith.constant 0 : index
      %swap3A_269 = tpu.vector_load %arg10[%swap3A_267, %swap3A_268] {strides = array<i32>} : memref<128x96xf32, #tpu.memory_space<vmem>>, vector<16xf32>,
      tpu.vector_store %arg10[%swap3A_267, %swap3A_268], %while3A_266#0 {strides = array<i32>} : memref<128x96xf32, #tpu.memory_space<vmem>>, vector<16xf32>,
      %swap3A_270 = arith.index_cast %add3A_163 : i32 to index
      %swap3A_271 = arith.constant 16 : index
      %swap3A_272 = tpu.vector_load %arg10[%swap3A_270, %swap3A_271] {strides = array<i32>} : memref<128x96xf32, #tpu.memory_space<vmem>>, vector<16xf32>,
      tpu.vector_store %arg10[%swap3A_270, %swap3A_271], %while3A_266#1 {strides = array<i32>} : memref<128x96xf32, #tpu.memory_space<vmem>>, vector<16xf32>,
      %mul3A_273 = arith.mulf %while3A_266#4, %div3A_241 : vector<16xf32>
      %swap3A_274 = arith.index_cast %add3A_163 : i32 to index
      %swap3A_275 = arith.constant 32 : index
      %swap3A_276 = tpu.vector_load %arg10[%swap3A_274, %swap3A_275] {strides = array<i32>} : memref<128x96xf32, #tpu.memory_space<vmem>>, vector<16xf32>,
      tpu.vector_store %arg10[%swap3A_274, %swap3A_275], %mul3A_273 {strides = array<i32>} : memref<128x96xf32, #tpu.memory_space<vmem>>, vector<16xf32>,
      %mul3A_277 = arith.mulf %while3A_266#5, %div3A_241 : vector<16xf32>
      %swap3A_278 = arith.index_cast %add3A_163 : i32 to index
      %swap3A_279 = arith.constant 48 : index
      %swap3A_280 = tpu.vector_load %arg10[%swap3A_278, %swap3A_279] {strides = array<i32>} : memref<128x96xf32, #tpu.memory_space<vmem>>, vector<16xf32>,
      tpu.vector_store %arg10[%swap3A_278, %swap3A_279], %mul3A_277 {strides = array<i32>} : memref<128x96xf32, #tpu.memory_space<vmem>>, vector<16xf32>,
      %swap3A_281 = arith.index_cast %add3A_163 : i32 to index
      %swap3A_282 = arith.constant 64 : index
      %swap3A_283 = tpu.vector_load %arg10[%swap3A_281, %swap3A_282] {strides = array<i32>} : memref<128x96xf32, #tpu.memory_space<vmem>>, vector<16xf32>,
      tpu.vector_store %arg10[%swap3A_281, %swap3A_282], %while3A_266#2 {strides = array<i32>} : memref<128x96xf32, #tpu.memory_space<vmem>>, vector<16xf32>,
      %swap3A_284 = arith.index_cast %add3A_163 : i32 to index
      %swap3A_285 = arith.constant 80 : index
      %swap3A_286 = tpu.vector_load %arg10[%swap3A_284, %swap3A_285] {strides = array<i32>} : memref<128x96xf32, #tpu.memory_space<vmem>>, vector<16xf32>,
      tpu.vector_store %arg10[%swap3A_284, %swap3A_285], %while3A_266#3 {strides = array<i32>} : memref<128x96xf32, #tpu.memory_space<vmem>>, vector<16xf32>,
      %scan3A_287 = arith.constant 0 : i32
      scf.yield %scan3A_287 : i32
    }
    %scan3A_8 = arith.constant 64 : i32
    "tpu.region"() ({
      %run_scoped3A = tpu.sem_alloc : memref<!tpu.dma_semaphore, #tpu.memory_space<semaphore_mem>>
      %dma_start3A = arith.constant 0 : i32
      %dma_start3A_9 = tpu.memref_slice %arg5[%mul3A_2, %dma_start3A] : memref<4096x96xf32, #tpu.memory_space<hbm>> -> memref<128x96xf32, #tpu.memory_space<hbm>>
      %dma_start3A_10 = arith.constant 0 : i32
      %dma_start3A_11 = tpu.memref_slice %arg5[%mul3A_2, %dma_start3A_10] : memref<4096x96xf32, #tpu.memory_space<hbm>> -> memref<128x96xf32, #tpu.memory_space<hbm>>
      tpu.enqueue_dma source(%arg10 : memref<128x96xf32, #tpu.memory_space<vmem>>) target(%dma_start3A_11 : memref<128x96xf32, #tpu.memory_space<hbm>>) target_semaphore(%run_scoped3A : memref<!tpu.dma_semaphore, #tpu.memory_space<semaphore_mem>>)
      %dma_wait3A = arith.constant 0 : i32
      %dma_wait3A_12 = tpu.memref_slice %arg5[%mul3A_2, %dma_wait3A] : memref<4096x96xf32, #tpu.memory_space<hbm>> -> memref<128x96xf32, #tpu.memory_space<hbm>>
      %dma_wait3A_13 = arith.constant 0 : i32
      %dma_wait3A_14 = tpu.memref_slice %arg5[%mul3A_2, %dma_wait3A_13] : memref<4096x96xf32, #tpu.memory_space<hbm>> -> memref<128x96xf32, #tpu.memory_space<hbm>>
      tpu.wait_dma2 semaphore(%run_scoped3A : memref<!tpu.dma_semaphore, #tpu.memory_space<semaphore_mem>>) src(%arg10 : memref<128x96xf32, #tpu.memory_space<vmem>>) dst(%dma_wait3A_14 : memref<128x96xf32, #tpu.memory_space<hbm>>)
      tpu.yield
    }) : () -> ()
    return
  }
}

module attributes {stable_mosaic.version = 14 : i64} {
  func.func @body(%arg0: i32, %arg1: memref<512x96xf32, #tpu.memory_space<vmem>>, %arg2: memref<96x10xf32, #tpu.memory_space<vmem>>, %arg3: memref<1x10xf32, #tpu.memory_space<vmem>>, %arg4: memref<512x10xf32, #tpu.memory_space<vmem>>) attributes {dimension_semantics = [#tpu.dimension_semantics<arbitrary>], iteration_bounds = array<i64: 8>, scalar_prefetch = 0 : i64, scratch_operands = 0 : i64, tpu.core_type = #tpu.core_type<tc>, window_params = [{transform_indices = @transform_0, window_bounds = array<i64: 512, 96>}, {pipeline_mode = #tpu.pipeline_mode<synchronous>, transform_indices = @transform_1, window_bounds = array<i64: 96, 10>}, {pipeline_mode = #tpu.pipeline_mode<synchronous>, transform_indices = @transform_2, window_bounds = array<i64: 1, 10>}, {transform_indices = @transform_3, window_bounds = array<i64: 512, 10>}]} {
    %get3A = arith.constant 0 : index
    %get3A_0 = arith.constant 0 : index
    %get3A_1 = vector.load %arg1[%get3A, %get3A_0] : memref<512x96xf32, #tpu.memory_space<vmem>>, vector<512x96xf32>
    %get3A_2 = arith.constant 0 : index
    %get3A_3 = arith.constant 0 : index
    %get3A_4 = vector.load %arg2[%get3A_2, %get3A_3] : memref<96x10xf32, #tpu.memory_space<vmem>>, vector<96x10xf32>
    %dot_general3A = arith.constant dense<0.000000e+00> : vector<512x10xf32>
    %dot_general3A_5 = tpu.matmul %get3A_1, %get3A_4, %dot_general3A {dimension_numbers = #tpu.dot_dimension_numbers<[1], [0], [0], [1], [0, 0, 1, 1], [], []>, transpose_lhs_hint = false} : vector<512x96xf32>, vector<96x10xf32>, vector<512x10xf32> -> vector<512x10xf32>
    %get3A_6 = arith.constant 0 : index
    %get3A_7 = arith.constant 0 : index
    %get3A_8 = vector.load %arg3[%get3A_6, %get3A_7] : memref<1x10xf32, #tpu.memory_space<vmem>>, vector<1x10xf32>
    %add3A = vector.broadcast %get3A_8 : vector<1x10xf32> to vector<512x10xf32>
    %add3A_9 = arith.addf %dot_general3A_5, %add3A : vector<512x10xf32>
    %swap3A = arith.constant 0 : index
    %swap3A_10 = arith.constant 0 : index
    %swap3A_11 = vector.load %arg4[%swap3A, %swap3A_10] : memref<512x10xf32, #tpu.memory_space<vmem>>, vector<512x10xf32>
    tpu.vector_store %arg4[%swap3A, %swap3A_10], %add3A_9 {strides = array<i32>} : memref<512x10xf32, #tpu.memory_space<vmem>>, vector<512x10xf32>,
    return
  }
  func.func @transform_0(%arg0: i32) -> (i32, i32) {
    %c0_i32 = arith.constant 0 : i32
    %c0_i32_0 = arith.constant 0 : i32
    return %arg0, %c0_i32 : i32, i32
  }
  func.func @transform_1(%arg0: i32) -> (i32, i32) {
    %c0_i32 = arith.constant 0 : i32
    %c0_i32_0 = arith.constant 0 : i32
    %c0_i32_1 = arith.constant 0 : i32
    return %c0_i32, %c0_i32_0 : i32, i32
  }
  func.func @transform_2(%arg0: i32) -> (i32, i32) {
    %c0_i32 = arith.constant 0 : i32
    %c0_i32_0 = arith.constant 0 : i32
    %c0_i32_1 = arith.constant 0 : i32
    return %c0_i32, %c0_i32_0 : i32, i32
  }
  func.func @transform_3(%arg0: i32) -> (i32, i32) {
    %c0_i32 = arith.constant 0 : i32
    %c0_i32_0 = arith.constant 0 : i32
    return %arg0, %c0_i32 : i32, i32
  }
}

</mosaic_0001>

<sc_bundles>
// kernel: kernel.4.cloned.1.call-start
scs
__scs_entry_jumppad:
0x0: {  	(pc) =	sbr.rel $0x88, $3  }
0x1: {  	(tag) =	ssettag $0x0;
	lr =	simm.s32 $0x1  }
0x2: {  	[smem:$0x3F9C] =	sst lr;
	_ =	strace $0xD0000000  }
0x3: {  	_ = 	snop  }
0x4: {  	_ = 	snop  }
0x5: {  	_ = 	snop  }
0x6: {  	_ = 	snop  }
0x7: {  	_ = 	snop  }
__scs_overlays_trampoline_lowered:
0x8: {  	[smem:$0x3FAB] =	sst s0  }
0x9: {  	[smem:$0x3FAC] =	sst s1  }
0xa: {  	[smem:$0x3FAD] =	sst s2  }
0xb: {  	[smem:$0x3FAE] =	sst s3  }
0xc: {  	[smem:$0x3FAF] =	sst s4  }
0xd: {  	[smem:$0x3FB0] =	sst s5  }
0xe: {  	[smem:$0x3FB1] =	sst s6  }
0xf: {  	[smem:$0x3FB2] =	sst s7  }
0x10: {  	[smem:$0x3FB3] =	sst s8  }
0x11: {  	[smem:$0x3FB4] =	sst s9;
	s0 =	simm.s32 @!p0 $0x0  }
0x12: {  	s1 =	sld [smem:$0x3F9A];
	s0 =	simm.s32 @p0 $0x1  }
0x13: {  	[smem:$0x3FB5] =	sst s0;
	s0 =	simm.s32 @!p1 $0x0  }
0x14: {  	s2 =	sld [smem:$0x3F99];
	s0 =	simm.s32 @p1 $0x1  }
0x15: {  	[smem:$0x3FB6] =	sst s0;
	s0 =	simm.s32 @!p2 $0x0  }
0x16: {  	s3 =	sld [smem:$0x3FDB];
	s0 =	simm.s32 @p2 $0x1  }
0x17: {  	s4 =	simm.s32 $0x1BF5;
	[smem:$0x3FB8] =	sst s0  }
0x18: {  	s0 =	sld [smem:$0x3F9B];
	_ =	swait.ge [sflag:s4], $0x0  }
0x19: {  	s7 =	sld [smem:$0x3F9C]  }
0x1a: {  	s8 =	sadd.s32 $0xFFFFE003, lr  }
0x1b: {  	s9 =	sadd.s32 $0xFFFFFEF7, lr;
	s5 =	simm.s32 $0xFFFFFFFF;
	p2 =	slt.u32 s8, $0xFFFFF086  }
0x1c: {  	p1 =	slt.u32 s9, $0xF7A;
	s5 =	simm.s32 @!p2 $0x0  }
0x1d: {  	s5 =	simm.s32 @p1 $0x1;
	p0 =	seq.s32 s7, s2  }
0x1e: {  	s7 =	smul.u32 @!p0 $0xF7A, s2;
	p2 =	seq.s32 @!p0 s5, $0x0  }
0x1f: {  	s9 =	smul.u32 $0xF7A, s1;
	s8 =	simm.s32 @!p0 $0x1BF5;
	p2 =	por !p2, p0  }
0x20: {  	[sflag:s8] =	ssyncset.s32 @!p0 $0xFFFFF086;
	s6 =	sadd.s32 @!p0 s3, s7;
	s7 =	simm.s32 @!p0 $0x108  }
0x21: {  	s3 =	sadd.s32 s3, s9;
	s6 =	sadd.s32 @!p0 $0x88, s6;
	s7 =	simm.s32 @p2 $0x1082  }
0x22: {  	[simem:s7], [sflag:s8] =	dma.local @!p0 [hbm:s6], $0xF7A  }
0x23: {  	s9 =	sor.u32 $0xD0000000, s2;
	s6 =	simm.s32 $0x108;
	_ =	swait.ge @!p0 [sflag:s8], $0x0  }
0x24: {  	s3 =	sadd.s32 $0x88, s3;
	s6 =	simm.s32 @!p1 $0x1082;
	[sflag:s4] =	ssyncset.s32 $0xFFFFF086  }
0x25: {  	[simem:s6], [sflag:s4] =	dma.local [hbm:s3], $0xF7A  }
0x26: {  	[smem:$0x3F9C] =	sst s1;
	(tag) =	ssettag s2;
	_ =	strace s9  }
0x27: {  	s1 =	sld [smem:$0x3FAC]  }
0x28: {  	s2 =	sld [smem:$0x3FAD]  }
0x29: {  	s4 =	sld [smem:$0x3FAF]  }
0x2a: {  	p0 =	seq.s32 s5, $0x0;
	s5 =	sld [smem:$0x3FB0]  }
0x2b: {  	s6 =	sld [smem:$0x3FB1]  }
0x2c: {  	s7 =	sld [smem:$0x3FB2]  }
0x2d: {  	s3 =	simm.s32 $0x108;
	s8 =	sld [smem:$0x3FB3]  }
0x2e: {  	s3 =	simm.s32 @!p0 $0x1082;
	s9 =	sld [smem:$0x3FB4]  }
0x2f: {  	lr =	sadd.s32 s0, s3;
	s0 =	sld [smem:$0x3FAB]  }
0x30: {  	s3 =	sld [smem:$0x3FAE]  }
0x31: {  	[smem:$0x3FB7] =	sst s10  }
0x32: {  	s10 =	sld [smem:$0x3FB5];
	_ =	sdelay $0x3  }
0x33: {  	p0 =	seq.s32 s10, $0x1;
	s10 =	sld [smem:$0x3FB7];
	_ =	sdelay $0x3  }
0x34: {  	[smem:$0x3FB7] =	sst s10  }
0x35: {  	s10 =	sld [smem:$0x3FB6];
	_ =	sdelay $0x3  }
0x36: {  	p1 =	seq.s32 s10, $0x1;
	s10 =	sld [smem:$0x3FB7];
	_ =	sdelay $0x3  }
0x37: {  	[smem:$0x3FB7] =	sst s10  }
0x38: {  	s10 =	sld [smem:$0x3FB8]  }
0x39: {  	_ = 	snop;
	(pc) =	sbr.ind lr, $3  }
0x3a: {  	_ = 	snop  }
0x3b: {  	_ = 	snop  }
0x3c: {  	p2 =	seq.s32 s10, $0x1;
	s10 =	sld [smem:$0x3FB7]  }
0x3d: {  	_ =	shalt  }
0x3e: {  	_ =	shalt  }
0x3f: {  	_ =	shalt  }
0x40: {  	_ =	shalt  }
0x41: {  	_ =	shalt  }
0x42: {  	_ =	shalt  }
0x43: {  	_ =	shalt  }
0x44: {  	_ =	shalt  }
0x45: {  	_ =	shalt  }
0x46: {  	_ =	shalt  }
0x47: {  	_ =	shalt  }
0x48: {  	_ =	shalt  }
0x49: {  	_ =	shalt  }
0x4a: {  	_ =	shalt  }
0x4b: {  	_ =	shalt  }
0x4c: {  	_ =	shalt  }
0x4d: {  	_ =	shalt  }
0x4e: {  	_ =	shalt  }
0x4f: {  	_ =	shalt  }
0x50: {  	_ =	shalt  }
0x51: {  	_ =	shalt  }
0x52: {  	_ =	shalt  }
0x53: {  	_ =	shalt  }
0x54: {  	_ =	shalt  }
0x55: {  	_ =	shalt  }
0x56: {  	_ =	shalt  }
0x57: {  	_ =	shalt  }
0x58: {  	_ =	shalt  }
0x59: {  	_ =	shalt  }
0x5a: {  	_ =	shalt  }
0x5b: {  	_ =	shalt  }
0x5c: {  	_ =	shalt  }
0x5d: {  	_ =	shalt  }
0x5e: {  	_ =	shalt  }
0x5f: {  	_ =	shalt  }
0x60: {  	_ =	shalt  }
0x61: {  	_ =	shalt  }
0x62: {  	_ =	shalt  }
0x63: {  	_ =	shalt  }
0x64: {  	_ =	shalt  }
0x65: {  	_ =	shalt  }
0x66: {  	_ =	shalt  }
0x67: {  	_ =	shalt  }
0x68: {  	_ =	shalt  }
0x69: {  	_ =	shalt  }
0x6a: {  	_ =	shalt  }
0x6b: {  	_ =	shalt  }
0x6c: {  	_ =	shalt  }
0x6d: {  	_ =	shalt  }
0x6e: {  	_ =	shalt  }
0x6f: {  	_ =	shalt  }
0x70: {  	_ =	shalt  }
0x71: {  	_ =	shalt  }
0x72: {  	_ =	shalt  }
0x73: {  	_ =	shalt  }
0x74: {  	_ =	shalt  }
0x75: {  	_ =	shalt  }
0x76: {  	_ =	shalt  }
0x77: {  	_ =	shalt  }
0x78: {  	_ =	shalt  }
0x79: {  	_ =	shalt  }
0x7a: {  	_ =	shalt  }
0x7b: {  	_ =	shalt  }
0x7c: {  	_ =	shalt  }
0x7d: {  	_ =	shalt  }
0x7e: {  	_ =	shalt  }
0x7f: {  	_ =	shalt  }
0x80: {  	_ =	shalt  }
0x81: {  	_ =	shalt  }
0x82: {  	_ =	shalt  }
0x83: {  	_ =	shalt  }
0x84: {  	_ =	shalt  }
0x85: {  	_ =	shalt  }
0x86: {  	_ =	shalt  }
0x87: {  	_ =	shalt  }
.Lfunc_end0:
.L_simem_size_0:
called_computation_lowered:
.L_overlay_start_0:
0x88: {  	s2 =	sld [smem:$0x3FD9]  }
0x89: {  	s3 =	sld [smem:$0x3FFE];
	_ =	sdelay $0x1  }
0x8a: {  	s1 =	srdreg.scid  }
0x8b: {  	s0 =	sand.u32 $0x1, s1  }
0x8c: {  	s17 =	sshll.u32 s0, $0xA;
	s2 =	sadd.s32 s3, s2  }
0x8d: {  	s2 =	sadd.s32 s2, s17  }
0x8e: {  	[smem:$0x3FC3] =	sst s2  }
0x8f: {  	_ = 	snop  }
0x90: {  	s2 =	sld [smem:$0x3FC8];
	(tm) =	ssettm $0x1  }
0x91: {  	s18 =	sld [smem:$0x3FFB];
	_ =	sdelay $0x3  }
0x92: {  	_ =	strace s18  }
0x93: {  	s3 =	sld [smem:$0x3FFC];
	_ =	sdelay $0x3  }
0x94: {  	_ =	strace s3  }
0x95: {  	s3 =	sld [smem:$0x3FFD];
	_ =	sdelay $0x3  }
0x96: {  	_ =	strace s3  }
0x97: {  	_ =	strace $0x8FFFFFFF  }
0x98: {  	s19 =	sld [smem:$0x3FDB];
	_ =	sdelay $0x1  }
0x99: {  	s4 =	simm.s32 $_scs_section_size  }
0x9a: {  	s5 =	simm.s32 $_size__tile_overlayer_lowered;
	s6 =	simm.s32 $_tile_overlayer_lowered  }
0x9b: {  	s22 =	simm.s32 $0x1BFF;
	s21 =	sshll.u32 s6, $0x1;
	s3 =	sadd.s32 s4, s19  }
0x9c: {  	s7 =	simm.s32 $0x0;
	s20 =	sshll.u32 s5, $0x1;
	s5 =	sadd.s32 s21, s3  }
0x9d: {  	[timem:s7], [sflag:s22] =	dma.local [hbm:s5], s20  }
0x9e: {  	_ =	swait.ge [sflag:s22], s20  }
0x9f: {  	s4 =	ssub.s32 $0x0, s20;
	[sflag:s22] =	ssyncset.done $0x0  }
0xa0: {  	[sflag:s22] =	ssyncadd.s32 s4;
	_ =	sdelay $0x1  }
0xa1: {  	s23 =	simm.s32 $0x1B8B  }
0xa2: {  	_ =	swait.ge [sflag:s23], $0x1  }
0xa3: {  	[sflag:s23] =	ssyncset.done $0x0  }
0xa4: {  	s25 =	simm.s32 $0x1B8E;
	s24 =	sld [smem:$0x3FFE];
	[sflag:s23] =	ssyncadd.s32 $0xFFFFFFFF  }
0xa5: {  	s26 =	simm.s32 $execute0_lowered;
	[smem:$0x3FD2] =	sst s25  }
0xa6: {  	s5 =	sshll.u32 s26, $0x1;
	_ =	strace $0x80000046;
	[dreg:$0x1] =	wrdreg $0xFFFFFFFF  }
0xa7: {  	s28 =	simm.s32 $_size_execute0_lowered;
	s3 =	sadd.s32 s3, s5;
	[dreg:$0x0] =	wrdreg $0x0  }
0xa8: {  	s5 =	sshll.u32 s28, $0x1;
	[dreg:$0x2] =	wrdreg s3  }
0xa9: {  	[dreg:$0x3] =	wrdreg s5  }
0xaa: {  	[dreg:$0x4] =	wrdreg $0xC0  }
0xab: {  	_ =	task [dreg:s7], $0x5FFFF  }
0xac: {  	[dreg:$0x1] =	wrdreg $0xFFFFFFFF  }
0xad: {  	[dreg:$0x0] =	wrdreg $0x60  }
0xae: {  	[dreg:$0x2] =	wrdreg s24  }
0xaf: {  	[dreg:$0x3] =	wrdreg s2  }
0xb0: {  	[dreg:$0x4] =	wrdreg $0x9  }
0xb1: {  	_ =	task.clear_ibuf [dreg:s7], $0x5FFFF;
	_ =	strace $0x90000046  }
0xb2: {  	s29 =	simm.s32 $0x9;
	_ =	strace $0x80000048  }
0xb3: {  	_ =	swait.ge [sflag:s29], $0x1  }
0xb4: {  	[sflag:s29] =	ssyncadd.s32 $0xFFFFFFFF  }
0xb5: {  	_ =	strace $0x90000048  }
0xb6: {  	_ =	sfence  }
0xb7: {  	s30 =	sld [smem:$0x0];
	_ =	sdelay $0x2  }
0xb8: {  	s31 =	sshll.u32 s1, $0xD;
	s1 =	sshrl.u32 s1, $0x2  }
0xb9: {  	s3 =	sand.u32 $0x4000, s31;
	s1 =	sadd.s32 s1, s30  }
0xba: {  	s0 =	sor.u32 s3, s0;
	s1 =	sshll.u32 s1, $0x11  }
0xbb: {  	s0 =	sor.u32 s1, s0  }
0xbc: {  	s0 =	sadd.s32 $0x8F2B, s0  }
0xbd: {  	[sflag:s0] =	ssyncadd.remote.s32 $0x1  }
0xbe: {  	_ =	sfence.sel $0xFFFF  }
0xbf: {  	[dreg:$0x0] =	wrdreg $0xFFFFFFFF;
	(pc) =	sbr.abs _section_cstart, $3  }
0xc0: {  	[dreg:$0x1] =	wrdreg $0xFFFFFFFF  }
0xc1: {  	_ =	task.clear_ibuf [dreg:s7], $0x2FFFF;
	_ =	strace $0x9FFFFFFF  }
0xc2: {  	(tm) =	ssettm $0x7FFFFFFF  }
0xc3: {  	_ =	shalt  }
tec
execute0_lowered:
.L_overlay_start_1:
0x0: {  	(tag) =	ssettag $0x1  }
0x1: {  	s1 =	srdreg.scid;
	s4 =	rddreg [dreg:$0x0]  }
0x2: {  	s0 =	stileid.u32;
	s5 =	rddreg [dreg:$0x1];
	s10 =	simm.s32 $0x80  }
0x3: {  	s11 =	simm.s32 $0x6480;
	s12 =	simm.s32 $0x48;
	s13 =	simm.s32 $0x7480  }
0x4: {  	s14 =	simm.s32 $0x7D80;
	s15 =	simm.s32 $0x8D80;
	s3 =	sand.u32 $0x1, s1  }
0x5: {  	s16 =	simm.s32 $0x1;
	s30 =	sshll.u32 s0, $0x8;
	s2 =	sshll.u32 s3, $0x7  }
0x6: {  	s17 =	simm.s32 $0x2;
	s18 =	simm.s32 $0x9680;
	s6 =	sor.u32 s2, s30  }
0x7: {  	s19 =	simm.s32 $0x0;
	s1 =	rddreg [dreg:$0x2];
	s7 =	smul.u32 $0x19, s6  }
0x8: {  	s9 =	ssub.s32 $0x2, s3;
	s3 =	sadd.s32 $0xF42E00, s4;
	s8 =	smul.u32 $0xC, s6  }
.Ltmp0:
0x9: {  	s2 =	simm.s32 $0x0;
	s31 =	sshrl.u32 s9, $0x1;
	(pc) =	sbr.rel .LBB2_1-.Ltmp0, $4  }
0xa: {  	[smem:$0x7FF] =	sst s2;
	s9 =	ssub.s32 s9, s31;
	s6 =	sshrl.u32 s6, $0x3  }
0xb: {  	_ =	strace $0x80000047;
	s7 =	sadd.s32 s7, s4;
	s8 =	sadd.s32 s8, s4  }
0xc: {  	s5 =	sadd.s32 s5, s6;
	s4 =	sadd.s32 $0xA00, s7;
	s6 =	sadd.s32 $0x19A00, s8  }
0xd: {  	s7 =	smax.u32 s9, $0x1;
	s8 =	simm.s32 $0x3;
	s9 =	simm.s32 $0x6400  }
.LBB2_15:
0xe: {  	s19 =	sadd.s32 $0x1, s19  }
0xf: {  	p0 =	sne.s32 s19, s7  }
.Ltmp1:
0x10: {  	_ = 	snop;
	(pc) =	sbr.rel @!p0 .LBB2_16-.Ltmp1, $4  }
0x11: {  	[hbm4b:s6+s2] =	stream.linear.scatter [tilespmem:s18], [sflag:$0x3], $0x3000, $0x38;
	[tilespmem:$0xC680] =	vst v63  }
0x12: {  	_ =	swait.ge [sflag:s8], $0x3000  }
0x13: {  	[sflag:s8] =	ssyncset.done $0x0  }
0x14: {  	[sflag:s8] =	ssyncadd.s32 $0xFFFFD000  }
.LBB2_1:
0x15: {  	[tilespmem:s2], [sflag:$0x3] =	stream.linear.gather [hbm4b:s4+s2], $0x6400, $0x38;
	[tilespmem:$0xC680] =	vst v63  }
0x16: {  	_ =	swait.ge [sflag:s8], $0x6400  }
0x17: {  	[sflag:s8] =	ssyncset.done $0x0  }
.Ltmp2:
0x18: {  	[sflag:s8] =	ssyncadd.s32 $0xFFFF9C00;
	(pc) =	sbr.rel .LBB2_2-.Ltmp2, $4  }
0x19: {  	[tilespmem:s9], [sflag:$0x3] =	stream.linear.gather [hbm4b:s5+s2], $0x80, $0x38;
	[tilespmem:$0xC680] =	vst v63  }
0x1a: {  	_ =	swait.ge [sflag:s8], $0x80  }
0x1b: {  	[sflag:s8] =	ssyncset.done $0x0  }
0x1c: {  	s20 =	simm.s32 $0x0;
	[sflag:s8] =	ssyncadd.s32 $0xFFFFFF80  }
.LBB2_13:
0x1d: {  	v4 =	vmin.f32 v4, v7;
	v3 =	vmax.f32 v3, v7;
	v1 =	vadd.f32 v7, v1  }
.LBB2_14:
0x1e: {  	s21 =	smul.u32 $0x180, s21;
	_ =	sdelay $0x1  }
0x1f: {  	s20 =	sadd.s32 $0x1, s20;
	s21 =	sshra.s32 s21, $0x2  }
0x20: {  	v5 =	vmul.f32 v5, v0;
	p0 =	sne.s32 s20, $0x40;
	[tilespmem:s21+$0x9680] =	vst v6  }
.Ltmp3:
0x21: {  	v63 =	vmul.f32 v1, v0;
	[tilespmem:s21+$0x9690] =	vst v4;
	(pc) =	sbr.rel @!p0 .LBB2_15-.Ltmp3, $4  }
0x22: {  	[tilespmem:s21+$0x96A0] =	vst v5  }
0x23: {  	[tilespmem:s21+$0x96B0] =	vst v63  }
0x24: {  	[tilespmem:s21+$0x96C0] =	vst v2  }
0x25: {  	[tilespmem:s21+$0x96D0] =	vst v3  }
.LBB2_2:
0x26: {  	s21 =	smul.u32 $0x640, s20;
	_ =	sdelay $0x1  }
0x27: {  	s22 =	sshra.s32 s21, $0x2;
	s21 =	sshllo.u32 s20, $0x1  }
0x28: {  	[tilespmem:s11], [sflag:$0x1] =	stream.indirect.gather [hbm4b:s3+s10], $0x20, s22, s10, $0xb8;
	[tilespmem:$0xC680] =	vst v63  }
0x29: {  	s22 =	sadd.s32 $0x80, s22;
	s23 =	smul.u32 $0x320, s21  }
0x2a: {  	[tilespmem:s13], [sflag:$0x1] =	stream.indirect.gather [hbm4b:s3+s12], $0x20, s22, s12, $0xb8;
	[tilespmem:$0xC680] =	vst v63  }
0x2b: {  	s28 =	sshra.s32 s23, $0x2  }
0x2c: {  	[tilespmem:s14], [sflag:$0x2] =	stream.indirect.gather [hbm4b:s3+s10], $0x20, s28, s10, $0xb8;
	[tilespmem:$0xC680] =	vst v63  }
0x2d: {  	s22 =	sadd.s32 $0x80, s28  }
0x2e: {  	[tilespmem:s15], [sflag:$0x2] =	stream.indirect.gather [hbm4b:s3+s12], $0x20, s22, s12, $0xb8;
	[tilespmem:$0xC680] =	vst v63  }
0x2f: {  	_ =	swait.ge [sflag:s16], $0x1000  }
0x30: {  	[sflag:s16] =	ssyncset.done $0x0  }
0x31: {  	[sflag:s16] =	ssyncadd.s32 $0xFFFFF000  }
0x32: {  	s29 =	sshll.u32 s20, $0x3;
	_ =	swait.ge [sflag:s16], $0x900  }
0x33: {  	s22 =	sand.u32 $0x1C0, s29;
	[sflag:s16] =	ssyncset.done $0x0  }
0x34: {  	s22 =	sshrl.u32 s22, $0x2;
	[sflag:s16] =	ssyncadd.s32 $0xFFFFF700  }
0x35: {  	v0 =	vld [tilespmem:s22+$0x6400];
	_ =	sdelay $0x2  }
0x36: {  	s30 =	sshll.u32 s20, $0x1  }
0x37: {  	v1 =	vmov s30  }
0x38: {  	v0 =	vperm.xlane v0, v1;
	_ =	sdelay $0x1  }
0x39: {  	v1 =	vxor.u32 $0x80000000, v0  }
0x3a: {  	(xrf0) =	vmax.scan.msk.u32 $0xffff, v1;
	_ =	sdelay $0x5  }
0x3b: {  	v1, _, _ =	vpop (xrf0)  }
0x3c: {  	(v2sf) =	vpush v1, $0xF;
	_ =	sdelay $0xa  }
0x3d: {  	v0 =	vcvt.s32.f32 v0;
	_ =	sdelay $0x1  }
0x3e: {  	(erf) = vrcp.f32 v0;
	_ =	sdelay $0x1  }
0x3f: {  	s31 =	spop (v2sf)  }
0x40: {  	s23 =	sxor.u32 $0x80000000, s31  }
0x41: {  	p0 =	slt.s32 s23, $0x4  }
.Ltmp4:
0x42: {  	_ = 	snop;
	(pc) =	sbr.rel @p0 .LBB2_3-.Ltmp4, $2  }
0x43: {  	_ =	sdelay $0x2  }
0x44: {  	v0 =	vpop (erf);
	s24 =	sand.u32 $0xFFFFFFFC, s23  }
0x45: {  	s26 =	simm.s32 $0x64C0  }
0x46: {  	v11 =	vld [tilespmem:s26+$0x0]  }
0x47: {  	p1 =	sgt.s32 s24, $0x4;
	v1 =	vld [tilespmem:s26+$0x30]  }
.Ltmp5:
0x48: {  	v17 =	vld [tilespmem:s26+$0xFFFFFFF0];
	(pc) =	sbr.rel @!p1 .LBB2_18-.Ltmp5, $4  }
0x49: {  	v7 =	vld [tilespmem:s26+$0xFFFFFFC0]  }
0x4a: {  	v6 =	vld [tilespmem:s26+$0xFFFFFFD0]  }
0x4b: {  	v5 =	vimm.f32 $3.000000010e+38;
	v16 =	vld [tilespmem:s26+$0xFFFFFFE0]  }
0x4c: {  	v4 =	vimm.f32 $-3.000000010e+38;
	v3 =	vimm.f32 $0.0e+00;
	s25 =	simm.s32 $0x6540;
	p0 =	por $0x0, $0x0;
	v2 =	vld [tilespmem:s26+$0x10]  }
0x4d: {  	v8 =	vld [tilespmem:s25+$0x0]  }
0x4e: {  	v10 =	vld [tilespmem:s25+$0x30];
	v18 =	vmin.f32 v5, v7;
	v19 =	vmax.f32 v4, v7;
	v7 =	vadd.f32 v7, v3  }
0x4f: {  	v9 =	vld [tilespmem:s26+$0x20];
	p1 =	sgt.s32 s24, $0x8;
	v12 =	vmin.f32 v5, v6;
	v13 =	vmax.f32 v4, v6;
	v6 =	vadd.f32 v6, v3  }
.Ltmp6:
0x50: {  	v14 =	vld [tilespmem:s25+$0xFFFFFFF0];
	v12 =	vmin.f32 v12, v17;
	v13 =	vmax.f32 v13, v17;
	v15 =	vadd.f32 v16, v7;
	(pc) =	sbr.rel @!p1 .LBB2_20-.Ltmp6, $4  }
0x51: {  	v7 =	vld [tilespmem:s25+$0xFFFFFFC0];
	v20 =	vmin.f32 v18, v16;
	v16 =	vmax.f32 v19, v16;
	v17 =	vadd.f32 v17, v6  }
0x52: {  	v12 =	vmin.f32 v12, v2;
	v13 =	vmax.f32 v13, v2;
	v6 =	vld [tilespmem:s25+$0xFFFFFFD0];
	v22 =	vadd.f32 v11, v15  }
0x53: {  	v20 =	vmin.f32 v20, v11;
	v21 =	vmax.f32 v16, v11;
	v15 =	vld [tilespmem:s25+$0xFFFFFFE0];
	v18 =	vadd.f32 v2, v17  }
0x54: {  	s26 =	simm.s32 $0x8;
	s28 =	simm.s32 $0x65C0;
	p0 =	por $0x1, $0x1;
	v12 =	vmin.f32 v12, v1;
	v13 =	vmax.f32 v13, v1;
	v2 =	vld [tilespmem:s25+$0x10];
	v19 =	vadd.f32 v9, v22  }
.LBB2_21:
0x55: {  	v11 =	vld [tilespmem:s28+$0x0];
	s26 =	sadd.s32 $0x4, s26;
	v16 =	vmin.f32 v20, v9;
	v9 =	vmax.f32 v21, v9;
	v17 =	vadd.f32 v1, v18;
	v1 =	vmovc v10  }
0x56: {  	v10 =	vld [tilespmem:s28+$0x30];
	p1 =	slt.s32 s26, s24;
	v16 =	vmin.f32 v16, v7;
	v18 =	vmax.f32 v9, v7;
	v7 =	vadd.f32 v7, v19;
	v19 =	vmovc v14  }
0x57: {  	v12 =	vmin.f32 v12, v6;
	v13 =	vmax.f32 v13, v6;
	v6 =	vadd.f32 v6, v17;
	v9 =	vld [tilespmem:s25+$0x20];
	s25 =	smov.u32 s28  }
.Ltmp7:
0x58: {  	v14 =	vld [tilespmem:s28+$0xFFFFFFF0];
	v12 =	vmin.f32 v12, v19;
	v13 =	vmax.f32 v13, v19;
	v17 =	vadd.f32 v15, v7;
	(pc) =	sbr.rel @p1 .LBB2_21-.Ltmp7, $4  }
0x59: {  	v7 =	vld [tilespmem:s28+$0xFFFFFFC0];
	v19 =	vadd.f32 v19, v6;
	v12 =	vmin.f32 v12, v2;
	v13 =	vmax.f32 v13, v2  }
0x5a: {  	v6 =	vld [tilespmem:s28+$0xFFFFFFD0];
	v17 =	vadd.f32 v8, v17;
	v12 =	vmin.f32 v12, v1;
	v13 =	vmax.f32 v13, v1  }
0x5b: {  	v16 =	vmin.f32 v16, v15;
	v21 =	vmax.f32 v18, v15;
	v15 =	vld [tilespmem:s28+$0xFFFFFFE0];
	v18 =	vadd.f32 v2, v19  }
0x5c: {  	v20 =	vmin.f32 v16, v8;
	v21 =	vmax.f32 v21, v8;
	v8 =	vmovc v11;
	s28 =	sadd.s32 $0x80, s28;
	v2 =	vld [tilespmem:s25+$0x10];
	v19 =	vadd.f32 v9, v17  }
0x5d: {  	_ =	sdelay $0x2  }
0x5e: {  	v22 =	vmovc v1;
	v1 =	vmovc v10;
	v17 =	vmov v14;
	s26 =	smov.u32 s25;
	v11 =	vmov v8;
	v16 =	vmov v15  }
.LBB2_23:
0x5f: {  	v8 =	vmin.f32 @p0 v20, v9;
	v9 =	vmax.f32 @p0 v21, v9;
	v10 =	vadd.f32 @p0 v22, v18  }
0x60: {  	v60 =	vmax.f32 v13, v6;
	v5 =	vpsel p0, v8, v5;
	v4 =	vpsel p0, v9, v4  }
0x61: {  	v8 =	vmax.f32 v4, v7;
	v4 =	vadd.f32 v7, v19;
	v3 =	vpsel p0, v10, v3  }
0x62: {  	v61 =	vld [tilespmem:s26+$0x20];
	v5 =	vmin.f32 v5, v7;
	v7 =	vmin.f32 v12, v6;
	v3 =	vadd.f32 v6, v3  }
0x63: {  	v6 =	vmin.f32 v7, v17;
	v7 =	vmax.f32 v60, v17;
	v4 =	vadd.f32 v16, v4  }
.Ltmp8:
0x64: {  	v5 =	vmin.f32 v5, v16;
	v62 =	vadd.f32 v17, v3;
	v3 =	vmin.f32 v6, v2;
	(pc) =	sbr.rel .LBB2_4-.Ltmp8, $4  }
0x65: {  	v6 =	vmax.f32 v7, v2;
	v7 =	vadd.f32 v11, v4;
	v4 =	vmin.f32 v3, v1  }
0x66: {  	v3 =	vmax.f32 v6, v1;
	v6 =	vmax.f32 v8, v16;
	v8 =	vadd.f32 v2, v62  }
0x67: {  	v2 =	vmin.f32 v5, v11;
	v63 =	vmax.f32 v6, v11;
	v5 =	vadd.f32 v61, v7  }
0x68: {  	v6 =	vmin.f32 v2, v61;
	v2 =	vmax.f32 v63, v61;
	v1 =	vadd.f32 v1, v8  }
.LBB2_3:
0x69: {  	v5 =	vimm.f32 $0.0e+00;
	v2 =	vimm.f32 $-3.000000010e+38;
	v6 =	vimm.f32 $3.000000010e+38  }
0x6a: {  	v4 =	vimm.f32 $3.000000010e+38;
	v3 =	vimm.f32 $-3.000000010e+38;
	v1 =	vimm.f32 $0.0e+00  }
.LBB2_4:
0x6b: {  	p0 =	seq.s32 s24, s23  }
.Ltmp9:
0x6c: {  	_ = 	snop;
	(pc) =	sbr.rel @p0 .LBB2_8-.Ltmp9, $1  }
0x6d: {  	_ =	sdelay $0x3  }
0x6e: {  	s25 =	sshll.u32 s23, $0x7  }
0x6f: {  	s25 =	sshra.s32 s25, $0x2  }
0x70: {  	s25 =	sand.u32 $0xFFFFFF80, s25  }
0x71: {  	s24 =	sadd.s32 $0x1, s24;
	s25 =	sadd.s32 $0x6490, s25  }
0x72: {  	p0 =	slt.s32 s24, s23;
	v8 =	vld [tilespmem:s25+$0xFFFFFFF0]  }
.Ltmp10:
0x73: {  	_ = 	snop;
	(pc) =	sbr.rel @!p0 .LBB2_7-.Ltmp10, $2  }
0x74: {  	v7 =	vld [tilespmem:s25+$0x0];
	_ =	sdelay $0x2  }
0x75: {  	s25 =	sadd.s32 $0x20, s25;
	v6 =	vmin.f32 v6, v8;
	v2 =	vmax.f32 v2, v8;
	v5 =	vadd.f32 v8, v5  }
.LBB2_6:
0x76: {  	s24 =	sadd.s32 $0x1, s24  }
0x77: {  	v8 =	vld [tilespmem:s25+$0xFFFFFFF0];
	v4 =	vmin.f32 v4, v7;
	v3 =	vmax.f32 v3, v7;
	v1 =	vadd.f32 v7, v1;
	p0 =	slt.s32 s24, s23  }
.Ltmp11:
0x78: {  	v7 =	vld [tilespmem:s25+$0x0];
	(pc) =	sbr.rel @p0 .LBB2_6-.Ltmp11, $2  }
0x79: {  	_ =	sdelay $0x2  }
0x7a: {  	s25 =	sadd.s32 $0x20, s25;
	v6 =	vmin.f32 v6, v8;
	v2 =	vmax.f32 v2, v8;
	v5 =	vadd.f32 v8, v5  }
.LBB2_7:
0x7b: {  	_ = 	snop  }
0x7c: {  	v4 =	vmin.f32 v4, v7;
	v3 =	vmax.f32 v3, v7;
	v1 =	vadd.f32 v7, v1  }
.LBB2_8:
0x7d: {  	s23 =	smul.u32 $0x300, s20;
	_ =	sdelay $0x1  }
0x7e: {  	s23 =	sshra.s32 s23, $0x2  }
0x7f: {  	v5 =	vmul.f32 v5, v0;
	[tilespmem:s23+$0x9680] =	vst v6  }
0x80: {  	v0 =	vmul.f32 v1, v0;
	[tilespmem:s23+$0x9690] =	vst v4  }
0x81: {  	[tilespmem:s23+$0x96A0] =	vst v5  }
0x82: {  	[tilespmem:s23+$0x96B0] =	vst v0  }
0x83: {  	[tilespmem:s23+$0x96C0] =	vst v2  }
0x84: {  	[tilespmem:s23+$0x96D0] =	vst v3  }
0x85: {  	_ =	swait.ge [sflag:s17], $0x1000  }
0x86: {  	[sflag:s17] =	ssyncset.done $0x0  }
0x87: {  	[sflag:s17] =	ssyncadd.s32 $0xFFFFF000  }
0x88: {  	_ =	swait.ge [sflag:s17], $0x900  }
0x89: {  	[sflag:s17] =	ssyncset.done $0x0  }
0x8a: {  	[sflag:s17] =	ssyncadd.s32 $0xFFFFF700  }
0x8b: {  	v0 =	vld [tilespmem:s22+$0x6400];
	_ =	sdelay $0x3  }
0x8c: {  	v1 =	vmov s21  }
0x8d: {  	v0 =	vperm.xlane v0, v1;
	_ =	sdelay $0x1  }
0x8e: {  	v1 =	vxor.u32 $0x80000000, v0  }
0x8f: {  	(xrf0) =	vmax.scan.msk.u32 $0xffff, v1;
	_ =	sdelay $0x5  }
0x90: {  	v1, _, _ =	vpop (xrf0)  }
0x91: {  	(v2sf) =	vpush v1, $0xF;
	_ =	sdelay $0xa  }
0x92: {  	v0 =	vcvt.s32.f32 v0;
	_ =	sdelay $0x1  }
0x93: {  	(erf) = vrcp.f32 v0;
	_ =	sdelay $0x1  }
0x94: {  	s31 =	spop (v2sf)  }
0x95: {  	s22 =	sxor.u32 $0x80000000, s31  }
0x96: {  	p0 =	slt.s32 s22, $0x4  }
.Ltmp12:
0x97: {  	_ = 	snop;
	(pc) =	sbr.rel @p0 .LBB2_9-.Ltmp12, $2  }
0x98: {  	_ =	sdelay $0x2  }
0x99: {  	v0 =	vpop (erf);
	s23 =	sand.u32 $0xFFFFFFFC, s22  }
0x9a: {  	s25 =	simm.s32 $0x7DC0  }
0x9b: {  	v11 =	vld [tilespmem:s25+$0x0]  }
0x9c: {  	p1 =	sgt.s32 s23, $0x4;
	v1 =	vld [tilespmem:s25+$0x30]  }
.Ltmp13:
0x9d: {  	v17 =	vld [tilespmem:s25+$0xFFFFFFF0];
	(pc) =	sbr.rel @!p1 .LBB2_25-.Ltmp13, $4  }
0x9e: {  	v7 =	vld [tilespmem:s25+$0xFFFFFFC0]  }
0x9f: {  	v6 =	vld [tilespmem:s25+$0xFFFFFFD0]  }
0xa0: {  	v5 =	vimm.f32 $3.000000010e+38;
	v16 =	vld [tilespmem:s25+$0xFFFFFFE0]  }
0xa1: {  	v4 =	vimm.f32 $-3.000000010e+38;
	v3 =	vimm.f32 $0.0e+00;
	s24 =	simm.s32 $0x7E40;
	p0 =	por $0x0, $0x0;
	v2 =	vld [tilespmem:s25+$0x10]  }
0xa2: {  	v8 =	vld [tilespmem:s24+$0x0]  }
0xa3: {  	v10 =	vld [tilespmem:s24+$0x30];
	v18 =	vmin.f32 v5, v7;
	v19 =	vmax.f32 v4, v7;
	v7 =	vadd.f32 v7, v3  }
0xa4: {  	v9 =	vld [tilespmem:s25+$0x20];
	p1 =	sgt.s32 s23, $0x8;
	v12 =	vmin.f32 v5, v6;
	v13 =	vmax.f32 v4, v6;
	v6 =	vadd.f32 v6, v3  }
.Ltmp14:
0xa5: {  	v14 =	vld [tilespmem:s24+$0xFFFFFFF0];
	v12 =	vmin.f32 v12, v17;
	v13 =	vmax.f32 v13, v17;
	v15 =	vadd.f32 v16, v7;
	(pc) =	sbr.rel @!p1 .LBB2_27-.Ltmp14, $4  }
0xa6: {  	v7 =	vld [tilespmem:s24+$0xFFFFFFC0];
	v20 =	vmin.f32 v18, v16;
	v16 =	vmax.f32 v19, v16;
	v17 =	vadd.f32 v17, v6  }
0xa7: {  	v12 =	vmin.f32 v12, v2;
	v13 =	vmax.f32 v13, v2;
	v6 =	vld [tilespmem:s24+$0xFFFFFFD0];
	v22 =	vadd.f32 v11, v15  }
0xa8: {  	v20 =	vmin.f32 v20, v11;
	v21 =	vmax.f32 v16, v11;
	v15 =	vld [tilespmem:s24+$0xFFFFFFE0];
	v18 =	vadd.f32 v2, v17  }
0xa9: {  	s25 =	simm.s32 $0x8;
	s26 =	simm.s32 $0x7EC0;
	p0 =	por $0x1, $0x1;
	v12 =	vmin.f32 v12, v1;
	v13 =	vmax.f32 v13, v1;
	v2 =	vld [tilespmem:s24+$0x10];
	v19 =	vadd.f32 v9, v22  }
.LBB2_28:
0xaa: {  	v11 =	vld [tilespmem:s26+$0x0];
	s25 =	sadd.s32 $0x4, s25;
	v16 =	vmin.f32 v20, v9;
	v9 =	vmax.f32 v21, v9;
	v17 =	vadd.f32 v1, v18;
	v1 =	vmovc v10  }
0xab: {  	v10 =	vld [tilespmem:s26+$0x30];
	p1 =	slt.s32 s25, s23;
	v16 =	vmin.f32 v16, v7;
	v18 =	vmax.f32 v9, v7;
	v7 =	vadd.f32 v7, v19;
	v19 =	vmovc v14  }
0xac: {  	v12 =	vmin.f32 v12, v6;
	v13 =	vmax.f32 v13, v6;
	v6 =	vadd.f32 v6, v17;
	v9 =	vld [tilespmem:s24+$0x20];
	s24 =	smov.u32 s26  }
.Ltmp15:
0xad: {  	v14 =	vld [tilespmem:s26+$0xFFFFFFF0];
	v12 =	vmin.f32 v12, v19;
	v13 =	vmax.f32 v13, v19;
	v17 =	vadd.f32 v15, v7;
	(pc) =	sbr.rel @p1 .LBB2_28-.Ltmp15, $4  }
0xae: {  	v7 =	vld [tilespmem:s26+$0xFFFFFFC0];
	v19 =	vadd.f32 v19, v6;
	v12 =	vmin.f32 v12, v2;
	v13 =	vmax.f32 v13, v2  }
0xaf: {  	v6 =	vld [tilespmem:s26+$0xFFFFFFD0];
	v17 =	vadd.f32 v8, v17;
	v12 =	vmin.f32 v12, v1;
	v13 =	vmax.f32 v13, v1  }
0xb0: {  	v16 =	vmin.f32 v16, v15;
	v21 =	vmax.f32 v18, v15;
	v15 =	vld [tilespmem:s26+$0xFFFFFFE0];
	v18 =	vadd.f32 v2, v19  }
0xb1: {  	v20 =	vmin.f32 v16, v8;
	v21 =	vmax.f32 v21, v8;
	v8 =	vmovc v11;
	s26 =	sadd.s32 $0x80, s26;
	v2 =	vld [tilespmem:s24+$0x10];
	v19 =	vadd.f32 v9, v17  }
0xb2: {  	_ =	sdelay $0x2  }
0xb3: {  	v22 =	vmovc v1;
	v1 =	vmovc v10;
	v17 =	vmov v14;
	s25 =	smov.u32 s24;
	v11 =	vmov v8;
	v16 =	vmov v15  }
.LBB2_30:
0xb4: {  	v8 =	vmin.f32 @p0 v20, v9;
	v9 =	vmax.f32 @p0 v21, v9;
	v10 =	vadd.f32 @p0 v22, v18  }
0xb5: {  	v60 =	vmax.f32 v13, v6;
	v5 =	vpsel p0, v8, v5;
	v4 =	vpsel p0, v9, v4  }
0xb6: {  	v8 =	vmax.f32 v4, v7;
	v4 =	vadd.f32 v7, v19;
	v3 =	vpsel p0, v10, v3  }
0xb7: {  	v61 =	vld [tilespmem:s25+$0x20];
	v5 =	vmin.f32 v5, v7;
	v7 =	vmin.f32 v12, v6;
	v3 =	vadd.f32 v6, v3  }
0xb8: {  	v6 =	vmin.f32 v7, v17;
	v7 =	vmax.f32 v60, v17;
	v4 =	vadd.f32 v16, v4  }
.Ltmp16:
0xb9: {  	v5 =	vmin.f32 v5, v16;
	v62 =	vadd.f32 v17, v3;
	v3 =	vmin.f32 v6, v2;
	(pc) =	sbr.rel .LBB2_10-.Ltmp16, $4  }
0xba: {  	v6 =	vmax.f32 v7, v2;
	v7 =	vadd.f32 v11, v4;
	v4 =	vmin.f32 v3, v1  }
0xbb: {  	v3 =	vmax.f32 v6, v1;
	v6 =	vmax.f32 v8, v16;
	v8 =	vadd.f32 v2, v62  }
0xbc: {  	v2 =	vmin.f32 v5, v11;
	v63 =	vmax.f32 v6, v11;
	v5 =	vadd.f32 v61, v7  }
0xbd: {  	v6 =	vmin.f32 v2, v61;
	v2 =	vmax.f32 v63, v61;
	v1 =	vadd.f32 v1, v8  }
.LBB2_9:
0xbe: {  	v5 =	vimm.f32 $0.0e+00;
	v2 =	vimm.f32 $-3.000000010e+38;
	v6 =	vimm.f32 $3.000000010e+38  }
0xbf: {  	v4 =	vimm.f32 $3.000000010e+38;
	v3 =	vimm.f32 $-3.000000010e+38;
	v1 =	vimm.f32 $0.0e+00  }
.LBB2_10:
0xc0: {  	p0 =	seq.s32 s23, s22  }
.Ltmp17:
0xc1: {  	_ = 	snop;
	(pc) =	sbr.rel @p0 .LBB2_14-.Ltmp17, $1  }
0xc2: {  	_ =	sdelay $0x3  }
0xc3: {  	s24 =	sshll.u32 s22, $0x7  }
0xc4: {  	s24 =	sshra.s32 s24, $0x2  }
0xc5: {  	s24 =	sand.u32 $0xFFFFFF80, s24  }
0xc6: {  	s23 =	sadd.s32 $0x1, s23;
	s24 =	sadd.s32 $0x7D90, s24  }
0xc7: {  	p0 =	slt.s32 s23, s22;
	v8 =	vld [tilespmem:s24+$0xFFFFFFF0]  }
.Ltmp18:
0xc8: {  	v7 =	vld [tilespmem:s24+$0x0];
	(pc) =	sbr.rel @!p0 .LBB2_13-.Ltmp18, $2  }
0xc9: {  	_ =	sdelay $0x2  }
0xca: {  	s24 =	sadd.s32 $0x20, s24;
	v6 =	vmin.f32 v6, v8;
	v2 =	vmax.f32 v2, v8;
	v5 =	vadd.f32 v8, v5  }
.LBB2_12:
0xcb: {  	s23 =	sadd.s32 $0x1, s23  }
0xcc: {  	v8 =	vld [tilespmem:s24+$0xFFFFFFF0];
	v4 =	vmin.f32 v4, v7;
	v3 =	vmax.f32 v3, v7;
	v1 =	vadd.f32 v7, v1;
	p0 =	slt.s32 s23, s22  }
.Ltmp19:
0xcd: {  	v7 =	vld [tilespmem:s24+$0x0];
	(pc) =	sbr.rel @p0 .LBB2_12-.Ltmp19, $2  }
0xce: {  	_ =	sdelay $0x2  }
0xcf: {  	s24 =	sadd.s32 $0x20, s24;
	v6 =	vmin.f32 v6, v8;
	v2 =	vmax.f32 v2, v8;
	v5 =	vadd.f32 v8, v5  }
.Ltmp20:
0xd0: {  	_ = 	snop;
	(pc) =	sbr.rel .LBB2_13-.Ltmp20, $1  }
0xd1: {  	_ =	sdelay $0x3  }
.LBB2_18:
.Ltmp21:
0xd2: {  	(pc) =	sbr.rel .LBB2_23-.Ltmp21, $2  }
0xd3: {  	_ =	sdelay $0x2  }
0xd4: {  	v19 =	vimm.f32 $0.0e+00;
	v12 =	vimm.f32 $3.000000010e+38;
	v13 =	vimm.f32 $-3.000000010e+38  }
.LBB2_25:
.Ltmp22:
0xd5: {  	(pc) =	sbr.rel .LBB2_30-.Ltmp22, $2  }
0xd6: {  	_ =	sdelay $0x2  }
0xd7: {  	v19 =	vimm.f32 $0.0e+00;
	v12 =	vimm.f32 $3.000000010e+38;
	v13 =	vimm.f32 $-3.000000010e+38  }
.LBB2_20:
.Ltmp23:
0xd8: {  	(pc) =	sbr.rel .LBB2_23-.Ltmp23, $2  }
0xd9: {  	_ =	sdelay $0x2  }
0xda: {  	v22 =	vmovc v1;
	v1 =	vmovc v10;
	v17 =	vmov v14;
	s26 =	simm.s32 $0x6540;
	v11 =	vmov v8;
	v16 =	vmov v15  }
.LBB2_27:
.Ltmp24:
0xdb: {  	(pc) =	sbr.rel .LBB2_30-.Ltmp24, $2  }
0xdc: {  	_ =	sdelay $0x2  }
0xdd: {  	v22 =	vmovc v1;
	v1 =	vmovc v10;
	v17 =	vmov v14;
	s25 =	simm.s32 $0x7E40;
	v11 =	vmov v8;
	v16 =	vmov v15  }
.LBB2_16:
0xde: {  	_ =	sfence.sel $0x180000  }
0xdf: {  	[bflag:$0x0] =	sbarrier.arrive $0xFFFF  }
0xe0: {  	p0 =	sne.s32 s0, $0x0;
	_ =	strace $0x90000047  }
0xe1: {  	s0 =	sadd.s32 @!p0 $0x100000, s1;
	[bflag:$0x2] =	sbarrier.arrive $0xFFFF  }
0xe2: {  	[sflag:s0] =	ssyncadd.tile.s32 @!p0 $0x1;
	_ =	shalt  }
.Lfunc_end2:
_tile_overlayer_lowered:
.L_overlay_start_2:
0xe3: {  	(tag) =	ssettag $0x2  }
0xe4: {  	s0 =	rddreg [dreg:$0x0];
	s2 =	stileid.u32  }
0xe5: {  	s1 =	rddreg [dreg:$0x1];
	p0 =	sne.s32 s2, $0x0  }
0xe6: {  	s3 =	rddreg [dreg:$0x2];
	[bflag:$0x3] =	sbarrier.arrive $0xFFFF;
	s2 =	simm.s32 @!p0 $0x1C03  }
0xe7: {  	[timem:s3], [sflag:s2] =	dma.local @!p0 [hbm:s0], s1  }
0xe8: {  	s0 =	simm.s32 @!p0 $0x3  }
0xe9: {  	_ =	swait.ge @!p0 [sflag:s0], s1  }
0xea: {  	s1 =	ssub.s32 @!p0 $0x0, s1;
	[sflag:s0] =	ssyncset.done @!p0 $0x0  }
0xeb: {  	[sflag:s0] =	ssyncadd.s32 @!p0 s1  }
0xec: {  	[bflag:$0x3] =	sbarrier.arrive $0xFFFF  }
0xed: {  	_ =	shalt  }

</sc_bundles>
